<compile_context>
chip_gen: v7x
topology: tpu7x:2x2x1
jax: 0.10.2.dev20260603
libtpu: 0.0.44.dev20260713+nightly
codegen_flags: <defaults>
</compile_context>

<pallas_src>
import functools

import jax
import jax.numpy as jnp
from jax import lax
from jax.experimental import pallas as pl
from jax.experimental.pallas import tpu as pltpu
from jax.experimental.pallas import tpu_sc as plsc


def _wsum_body(wq_ref, wk_ref, o_ref):
    o_ref[...] = jnp.concatenate(
        [jnp.sum(wq_ref[...], axis=1, keepdims=True),
         jnp.sum(wk_ref[...], axis=1, keepdims=True)], axis=1)


def _sq_body(x_ref, wq3_ref, wk3_ref, oq_ref, ok_ref):
    x = x_ref[0]
    wq3 = wq3_ref[...][None]
    wk3 = wk3_ref[...][None]
    T = x.shape[0]
    sq = jnp.sum(jnp.sum(x * wq3, axis=2, keepdims=True), axis=1)
    sk = jnp.sum(jnp.sum(x * wk3, axis=2, keepdims=True), axis=1)
    oq_ref[0] = jnp.broadcast_to(sq, (T, 128))
    ok_ref[0] = jnp.broadcast_to(sk, (T, 128))


def _corr_body(sq_ref, sk_ref, bq_ref, bk_ref, vals_ref, inds_ref):
    B = sq_ref.shape[0]
    T = sq_ref.shape[1]
    SQ = sq_ref[...] + jnp.sum(bq_ref[...])
    SK = sk_ref[...] + jnp.sum(bk_ref[...])
    corr = lax.dot_general(SQ, SK, (((0,), (0,)), ((), ())),
                           preferred_element_type=jnp.float32)
    corr = corr * (1.0 / (B * 129.0))

    it0 = lax.broadcasted_iota(jnp.int32, (T, T), 0)
    it1 = lax.broadcasted_iota(jnp.int32, (T, T), 1)
    c = jnp.where(it0 == it1, -jnp.inf, corr)
    vs, ins = [], []
    for _sel in range(3):
        m = jnp.max(c, axis=1, keepdims=True)
        im = jnp.min(jnp.where(c == m, it1, T), axis=1, keepdims=True)
        c = jnp.where(it1 == im, -jnp.inf, c)
        vs.append(m)
        ins.append(im)
    i_min = jnp.minimum(ins[0], jnp.minimum(ins[1], ins[2]))
    i_max = jnp.maximum(ins[0], jnp.maximum(ins[1], ins[2]))
    i_mid = ins[0] + ins[1] + ins[2] - i_min - i_max

    def val_of(ix):
        return jnp.where(ix == ins[0], vs[0],
                         jnp.where(ix == ins[1], vs[1], vs[2]))

    vals_ref[...] = jnp.concatenate(
        [val_of(i_min), val_of(i_mid), val_of(i_max)], axis=1)
    inds_ref[...] = jnp.concatenate([i_min, i_mid, i_max], axis=1)


_ROWS_PER_TILE = 18


_B_PER_SCS = 8


def _sc_gather_body(x_hbm, gtab_hbm, out_hbm, g_sm, spbuf, sem_g, sem_w):
    cid = lax.axis_index("c")
    T = x_hbm.shape[0] // 16
    pltpu.sync_copy(gtab_hbm, g_sm)

    def _wait_rows(sem, n):
        pltpu.make_async_copy(
            x_hbm.at[pl.ds(0, n)], spbuf.at[0, pl.ds(0, n)], sem).wait()

    def body(bi, carry):
        b = cid * _B_PER_SCS + bi
        p = lax.rem(bi, 2)

        @pl.when(bi >= 2)
        def _():
            for _ in range(3):
                _wait_rows(sem_w, 12)

        pltpu.make_async_copy(
            x_hbm.at[pl.ds(b * T, T)], spbuf.at[p], sem_g).start()
        _wait_rows(sem_g, T)

        for j in range(36):
            s = g_sm[j]
            pltpu.make_async_copy(
                x_hbm.at[pl.ds(b * T + s, 1)],
                out_hbm.at[pl.ds(b * 36 + j, 1)], sem_w).start()
        return carry

    lax.fori_loop(0, _B_PER_SCS, body, 0)
    for _ in range(6):
        _wait_rows(sem_w, 12)


def kernel(X, Wq, bq, Wk, bk, K):
    B, T, N, D = X.shape
    F = N * D
    C = 3800
    G = F // C

    wsum2 = pl.pallas_call(
        _wsum_body,
        grid=(G,),
        in_specs=[
            pl.BlockSpec((C, 256), lambda i: (i, 0)),
            pl.BlockSpec((C, 256), lambda i: (i, 0)),
        ],
        out_specs=pl.BlockSpec((C, 2), lambda i: (i, 0)),
        out_shape=jax.ShapeDtypeStruct((F, 2), jnp.float32),
    )(Wq, Wk)
    w3q = wsum2[:, 0].reshape(N, D)
    w3k = wsum2[:, 1].reshape(N, D)

    sqm, skm = pl.pallas_call(
        _sq_body,
        grid=(B,),
        in_specs=[
            pl.BlockSpec((1, T, N, D), lambda b: (b, 0, 0, 0)),
            pl.BlockSpec((N, D), lambda b: (0, 0)),
            pl.BlockSpec((N, D), lambda b: (0, 0)),
        ],
        out_specs=[
            pl.BlockSpec((1, T, 128), lambda b: (b, 0, 0)),
            pl.BlockSpec((1, T, 128), lambda b: (b, 0, 0)),
        ],
        out_shape=[
            jax.ShapeDtypeStruct((B, T, 128), jnp.float32),
            jax.ShapeDtypeStruct((B, T, 128), jnp.float32),
        ],
    )(X, w3q, w3k)
    sqm = sqm[:, :, 0]
    skm = skm[:, :, 0]

    vals, inds = pl.pallas_call(
        _corr_body,
        in_specs=[
            pl.BlockSpec((B, T), lambda: (0, 0)),
            pl.BlockSpec((B, T), lambda: (0, 0)),
            pl.BlockSpec((1, 256), lambda: (0, 0)),
            pl.BlockSpec((1, 256), lambda: (0, 0)),
        ],
        out_specs=[
            pl.BlockSpec((T, 3), lambda: (0, 0)),
            pl.BlockSpec((T, 3), lambda: (0, 0)),
        ],
        out_shape=[
            jax.ShapeDtypeStruct((T, 3), jnp.float32),
            jax.ShapeDtypeStruct((T, 3), jnp.int32),
        ],
    )(sqm, skm, bq.reshape(1, -1), bk.reshape(1, -1))

    X3 = X.reshape(B * T, N, D)
    gtab = jnp.pad(inds.reshape(T * 3), (0, 28))
    mesh = plsc.ScalarSubcoreMesh(axis_name="c")
    sc_gather = functools.partial(
        pl.kernel,
        mesh=mesh,
        out_type=jax.ShapeDtypeStruct((B * T * 3, N, D), jnp.float32),
        scratch_types=[
            pltpu.SMEM((64,), jnp.int32),
            pltpu.VMEM_SHARED((2, T, N, D), jnp.float32),
            pltpu.SemaphoreType.DMA,
            pltpu.SemaphoreType.DMA,
        ],
    )(_sc_gather_body)
    out3 = sc_gather(X3, gtab)
    gathered = out3.reshape(B, T, 3, N, D)
    return (vals, inds, gathered)

# --- scband reference (transcript-rebuilt; emitter-appended) ---
"""Pipeline reference for scband-fftselector-67826123538942 (READ-ONLY COPY).

The authoritative reference and input builder live on the scoring server;
editing this copy changes nothing except your own understanding.
"""

import jax, jax.numpy as jnp
import numpy as np


def setup_inputs(seed: int = 0) -> dict:
    key = jax.random.key(seed)
    k1, k2, k3, k4, k5 = jax.random.split(key, 5)
    B, T, N, D = 16, 12, 325, 152
    ff = 256
    X = jax.random.normal(k1, (B, T, N, D), dtype=jnp.float32)
    fan_in = N * D
    lim = 1.0 / np.sqrt(fan_in)
    Wq = jax.random.uniform(k2, (fan_in, ff), minval=-lim, maxval=lim, dtype=jnp.float32)
    bq = jax.random.uniform(k3, (ff,), minval=-lim, maxval=lim, dtype=jnp.float32)
    Wk = jax.random.uniform(k4, (fan_in, ff), minval=-lim, maxval=lim, dtype=jnp.float32)
    bk = jax.random.uniform(k5, (ff,), minval=-lim, maxval=lim, dtype=jnp.float32)
    return {"X": X, "Wq": Wq, "bq": bq, "Wk": Wk, "bk": bk, "K": 3}


def reference(X, Wq, bq, Wk, bk, K):
    B, T, N, D = X.shape
    x_pack = X.reshape(B, T, -1)
    q = x_pack @ Wq + bq
    k = x_pack @ Wk + bk
    q_fft = jnp.fft.rfft(q)
    k_fft = jnp.fft.rfft(k)
    cross_corr_fft = q_fft[:, :, None, :] * jnp.conj(k_fft)[:, None, :, :]
    cross_corr = jnp.fft.ifft(cross_corr_fft, axis=-1).real
    corr_matrix = cross_corr.mean(axis=-1).mean(axis=0)
    corr_matrix = jnp.where(jnp.eye(T, dtype=bool), -jnp.inf, corr_matrix)
    corr_matrix = corr_matrix + (jnp.asarray(K) - jnp.asarray(K)).astype(corr_matrix.dtype)
    topk_values, topk_indices = jax.lax.top_k(corr_matrix, 3)  # along last axis (dim=1)
    order = jnp.argsort(topk_indices, axis=-1)
    sorted_values = jnp.take_along_axis(topk_values, order, axis=1)
    sorted_indices = jnp.take_along_axis(topk_indices, order, axis=1)
    # equivalent to torch gather on x_expanded[B,T,T,N,D] along dim=2:
    # result[b,t,k,n,d] = X[b, sorted_indices[t,k], n, d]
    sorted_values_from_X = X[:, sorted_indices]  # [B, T, K, N, D]
    return (sorted_values, sorted_indices, sorted_values_from_X)

if __name__ == "__main__":
    import jax
    _d = setup_inputs()
    print(jax.jit(kernel)(*tuple(_d.values())))

</pallas_src>

<mosaic_0001>
#map = affine_map<(d0) -> (0, 0, 0)>
#map1 = affine_map<(d0) -> (0)>
module attributes {stable_mosaic.version = 14 : i64} {
  func.func @_sc_gather_body(%arg0: i32, %arg1: memref<192x325x152xf32, #tpu.memory_space<hbm>>, %arg2: memref<64xi32, #tpu.memory_space<hbm>>, %arg3: memref<576x325x152xf32, #tpu.memory_space<hbm>>, %arg4: memref<64xi32, #tpu.memory_space<smem>>, %arg5: memref<2x12x325x152xf32, #tpu.memory_space<vmem_shared>>, %arg6: memref<!tpu.dma_semaphore, #tpu.memory_space<semaphore_mem>>, %arg7: memref<!tpu.dma_semaphore, #tpu.memory_space<semaphore_mem>>) attributes {dimension_semantics = [#tpu.dimension_semantics<core_parallel>], iteration_bounds = array<i64: 2>, scalar_prefetch = 0 : i64, scratch_operands = 4 : i64, tpu.core_type = #tpu.core_type<sc_scalar_subcore>, window_params = [{transform_indices = #map}, {transform_indices = #map1}, {transform_indices = #map}]} {
    "tpu.region"() ({
      %run_scoped3A = tpu.sem_alloc : memref<!tpu.dma_semaphore, #tpu.memory_space<semaphore_mem>>
      tpu.enqueue_dma source(%arg2 : memref<64xi32, #tpu.memory_space<hbm>>) target(%arg4 : memref<64xi32, #tpu.memory_space<smem>>) target_semaphore(%run_scoped3A : memref<!tpu.dma_semaphore, #tpu.memory_space<semaphore_mem>>)
      tpu.wait_dma2 semaphore(%run_scoped3A : memref<!tpu.dma_semaphore, #tpu.memory_space<semaphore_mem>>) src(%arg2 : memref<64xi32, #tpu.memory_space<hbm>>) dst(%arg4 : memref<64xi32, #tpu.memory_space<smem>>)
      tpu.yield
    }) : () -> ()
    %scan3A = arith.constant 0 : i32
    %scan3A_0 = arith.constant 0 : i32
    %scan3A_1 = arith.constant 8 : i32
    %scan3A_2 = arith.addi %scan3A_0, %scan3A_1 : i32
    %scan3A_3 = arith.constant 1 : i32
    scf.for %scan3A_64 = %scan3A_0 to %scan3A_2 step %scan3A_3  : i32 {
      %mul3A = arith.constant 8 : i32
      %mul3A_65 = arith.muli %arg0, %mul3A : i32
      %add3A = arith.addi %mul3A_65, %scan3A_64 : i32
      %rem3A = arith.constant 2 : i32
      %rem3A_66 = arith.remsi %scan3A_64, %rem3A : i32
      %ge3A = arith.constant 2 : i32
      %ge3A_67 = arith.cmpi sge, %scan3A_64, %ge3A : i32
      %convert_element_type3A = arith.extui %ge3A_67 : i1 to i32
      %cond3A = arith.constant 0 : i32
      %cond3A_68 = arith.cmpi ne, %convert_element_type3A, %cond3A : i32
      scf.if %cond3A_68 {
        %dma_wait3A_663 = arith.constant 0 : i32
        %dma_wait3A_664 = arith.constant 0 : i32
        %dma_wait3A_665 = arith.constant 0 : i32
        %dma_wait3A_666 = arith.constant 0 : i32
        %dma_wait3A_667 = tpu.memref_slice %arg5[%dma_wait3A_663, %dma_wait3A_664, %dma_wait3A_665, %dma_wait3A_666] : memref<2x12x325x152xf32, #tpu.memory_space<vmem_shared>> -> memref<1x12x325x152xf32, #tpu.memory_space<vmem_shared>>
        %dma_wait3A_668 = tpu.memref_squeeze %dma_wait3A_667 : memref<1x12x325x152xf32, #tpu.memory_space<vmem_shared>> -> memref<12x325x152xf32, #tpu.memory_space<vmem_shared>>
        %dma_wait3A_669 = arith.constant 0 : i32
        %dma_wait3A_670 = arith.constant 0 : i32
        %dma_wait3A_671 = arith.constant 0 : i32
        %dma_wait3A_672 = tpu.memref_slice %arg1[%dma_wait3A_669, %dma_wait3A_670, %dma_wait3A_671] : memref<192x325x152xf32, #tpu.memory_space<hbm>> -> memref<12x325x152xf32, #tpu.memory_space<hbm>>
        tpu.wait_dma2 semaphore(%arg7 : memref<!tpu.dma_semaphore, #tpu.memory_space<semaphore_mem>>) src(%dma_wait3A_672 : memref<12x325x152xf32, #tpu.memory_space<hbm>>) dst(%dma_wait3A_668 : memref<12x325x152xf32, #tpu.memory_space<vmem_shared>>)
        %dma_wait3A_673 = arith.constant 0 : i32
        %dma_wait3A_674 = arith.constant 0 : i32
        %dma_wait3A_675 = arith.constant 0 : i32
        %dma_wait3A_676 = arith.constant 0 : i32
        %dma_wait3A_677 = tpu.memref_slice %arg5[%dma_wait3A_673, %dma_wait3A_674, %dma_wait3A_675, %dma_wait3A_676] : memref<2x12x325x152xf32, #tpu.memory_space<vmem_shared>> -> memref<1x12x325x152xf32, #tpu.memory_space<vmem_shared>>
        %dma_wait3A_678 = tpu.memref_squeeze %dma_wait3A_677 : memref<1x12x325x152xf32, #tpu.memory_space<vmem_shared>> -> memref<12x325x152xf32, #tpu.memory_space<vmem_shared>>
        %dma_wait3A_679 = arith.constant 0 : i32
        %dma_wait3A_680 = arith.constant 0 : i32
        %dma_wait3A_681 = arith.constant 0 : i32
        %dma_wait3A_682 = tpu.memref_slice %arg1[%dma_wait3A_679, %dma_wait3A_680, %dma_wait3A_681] : memref<192x325x152xf32, #tpu.memory_space<hbm>> -> memref<12x325x152xf32, #tpu.memory_space<hbm>>
        tpu.wait_dma2 semaphore(%arg7 : memref<!tpu.dma_semaphore, #tpu.memory_space<semaphore_mem>>) src(%dma_wait3A_682 : memref<12x325x152xf32, #tpu.memory_space<hbm>>) dst(%dma_wait3A_678 : memref<12x325x152xf32, #tpu.memory_space<vmem_shared>>)
        %dma_wait3A_683 = arith.constant 0 : i32
        %dma_wait3A_684 = arith.constant 0 : i32
        %dma_wait3A_685 = arith.constant 0 : i32
        %dma_wait3A_686 = arith.constant 0 : i32
        %dma_wait3A_687 = tpu.memref_slice %arg5[%dma_wait3A_683, %dma_wait3A_684, %dma_wait3A_685, %dma_wait3A_686] : memref<2x12x325x152xf32, #tpu.memory_space<vmem_shared>> -> memref<1x12x325x152xf32, #tpu.memory_space<vmem_shared>>
        %dma_wait3A_688 = tpu.memref_squeeze %dma_wait3A_687 : memref<1x12x325x152xf32, #tpu.memory_space<vmem_shared>> -> memref<12x325x152xf32, #tpu.memory_space<vmem_shared>>
        %dma_wait3A_689 = arith.constant 0 : i32
        %dma_wait3A_690 = arith.constant 0 : i32
        %dma_wait3A_691 = arith.constant 0 : i32
        %dma_wait3A_692 = tpu.memref_slice %arg1[%dma_wait3A_689, %dma_wait3A_690, %dma_wait3A_691] : memref<192x325x152xf32, #tpu.memory_space<hbm>> -> memref<12x325x152xf32, #tpu.memory_space<hbm>>
        tpu.wait_dma2 semaphore(%arg7 : memref<!tpu.dma_semaphore, #tpu.memory_space<semaphore_mem>>) src(%dma_wait3A_692 : memref<12x325x152xf32, #tpu.memory_space<hbm>>) dst(%dma_wait3A_688 : memref<12x325x152xf32, #tpu.memory_space<vmem_shared>>)
      } else {
      }
      %mul3A_69 = arith.constant 12 : i32
      %mul3A_70 = arith.muli %add3A, %mul3A_69 : i32
      %dma_start3A = arith.constant 0 : i32
      %dma_start3A_71 = arith.constant 0 : i32
      %dma_start3A_72 = arith.constant 0 : i32
      %dma_start3A_73 = tpu.memref_slice %arg5[%rem3A_66, %dma_start3A, %dma_start3A_71, %dma_start3A_72] : memref<2x12x325x152xf32, #tpu.memory_space<vmem_shared>> -> memref<1x12x325x152xf32, #tpu.memory_space<vmem_shared>>
      %dma_start3A_74 = tpu.memref_squeeze %dma_start3A_73 : memref<1x12x325x152xf32, #tpu.memory_space<vmem_shared>> -> memref<12x325x152xf32, #tpu.memory_space<vmem_shared>>
      %dma_start3A_75 = arith.constant 0 : i32
      %dma_start3A_76 = arith.constant 0 : i32
      %dma_start3A_77 = tpu.memref_slice %arg1[%mul3A_70, %dma_start3A_75, %dma_start3A_76] : memref<192x325x152xf32, #tpu.memory_space<hbm>> -> memref<12x325x152xf32, #tpu.memory_space<hbm>>
      tpu.enqueue_dma source(%dma_start3A_77 : memref<12x325x152xf32, #tpu.memory_space<hbm>>) target(%dma_start3A_74 : memref<12x325x152xf32, #tpu.memory_space<vmem_shared>>) target_semaphore(%arg6 : memref<!tpu.dma_semaphore, #tpu.memory_space<semaphore_mem>>)
      %dma_wait3A_78 = arith.constant 0 : i32
      %dma_wait3A_79 = arith.constant 0 : i32
      %dma_wait3A_80 = arith.constant 0 : i32
      %dma_wait3A_81 = arith.constant 0 : i32
      %dma_wait3A_82 = tpu.memref_slice %arg5[%dma_wait3A_78, %dma_wait3A_79, %dma_wait3A_80, %dma_wait3A_81] : memref<2x12x325x152xf32, #tpu.memory_space<vmem_shared>> -> memref<1x12x325x152xf32, #tpu.memory_space<vmem_shared>>
      %dma_wait3A_83 = tpu.memref_squeeze %dma_wait3A_82 : memref<1x12x325x152xf32, #tpu.memory_space<vmem_shared>> -> memref<12x325x152xf32, #tpu.memory_space<vmem_shared>>
      %dma_wait3A_84 = arith.constant 0 : i32
      %dma_wait3A_85 = arith.constant 0 : i32
      %dma_wait3A_86 = arith.constant 0 : i32
      %dma_wait3A_87 = tpu.memref_slice %arg1[%dma_wait3A_84, %dma_wait3A_85, %dma_wait3A_86] : memref<192x325x152xf32, #tpu.memory_space<hbm>> -> memref<12x325x152xf32, #tpu.memory_space<hbm>>
      tpu.wait_dma2 semaphore(%arg6 : memref<!tpu.dma_semaphore, #tpu.memory_space<semaphore_mem>>) src(%dma_wait3A_87 : memref<12x325x152xf32, #tpu.memory_space<hbm>>) dst(%dma_wait3A_83 : memref<12x325x152xf32, #tpu.memory_space<vmem_shared>>)
      %get3A = arith.constant 0 : i32
      %get3A_88 = arith.index_cast %get3A : i32 to index
      %get3A_89 = memref.load %arg4[%get3A_88] : memref<64xi32, #tpu.memory_space<smem>>
      %mul3A_90 = arith.constant 12 : i32
      %mul3A_91 = arith.muli %add3A, %mul3A_90 : i32
      %add3A_92 = arith.addi %mul3A_91, %get3A_89 : i32
      %mul3A_93 = arith.constant 36 : i32
      %mul3A_94 = arith.muli %add3A, %mul3A_93 : i32
      %add3A_95 = arith.constant 0 : i32
      %add3A_96 = arith.addi %mul3A_94, %add3A_95 : i32
      %dma_start3A_97 = arith.constant 0 : i32
      %dma_start3A_98 = arith.constant 0 : i32
      %dma_start3A_99 = tpu.memref_slice %arg3[%add3A_96, %dma_start3A_97, %dma_start3A_98] : memref<576x325x152xf32, #tpu.memory_space<hbm>> -> memref<1x325x152xf32, #tpu.memory_space<hbm>>
      %dma_start3A_100 = arith.constant 0 : i32
      %dma_start3A_101 = arith.constant 0 : i32
      %dma_start3A_102 = tpu.memref_slice %arg1[%add3A_92, %dma_start3A_100, %dma_start3A_101] : memref<192x325x152xf32, #tpu.memory_space<hbm>> -> memref<1x325x152xf32, #tpu.memory_space<hbm>>
      tpu.enqueue_dma source(%dma_start3A_102 : memref<1x325x152xf32, #tpu.memory_space<hbm>>) target(%dma_start3A_99 : memref<1x325x152xf32, #tpu.memory_space<hbm>>) target_semaphore(%arg7 : memref<!tpu.dma_semaphore, #tpu.memory_space<semaphore_mem>>)
      %get3A_103 = arith.constant 1 : i32
      %get3A_104 = arith.index_cast %get3A_103 : i32 to index
      %get3A_105 = memref.load %arg4[%get3A_104] : memref<64xi32, #tpu.memory_space<smem>>
      %mul3A_106 = arith.constant 12 : i32
      %mul3A_107 = arith.muli %add3A, %mul3A_106 : i32
      %add3A_108 = arith.addi %mul3A_107, %get3A_105 : i32
      %mul3A_109 = arith.constant 36 : i32
      %mul3A_110 = arith.muli %add3A, %mul3A_109 : i32
      %add3A_111 = arith.constant 1 : i32
      %add3A_112 = arith.addi %mul3A_110, %add3A_111 : i32
      %dma_start3A_113 = arith.constant 0 : i32
      %dma_start3A_114 = arith.constant 0 : i32
      %dma_start3A_115 = tpu.memref_slice %arg3[%add3A_112, %dma_start3A_113, %dma_start3A_114] : memref<576x325x152xf32, #tpu.memory_space<hbm>> -> memref<1x325x152xf32, #tpu.memory_space<hbm>>
      %dma_start3A_116 = arith.constant 0 : i32
      %dma_start3A_117 = arith.constant 0 : i32
      %dma_start3A_118 = tpu.memref_slice %arg1[%add3A_108, %dma_start3A_116, %dma_start3A_117] : memref<192x325x152xf32, #tpu.memory_space<hbm>> -> memref<1x325x152xf32, #tpu.memory_space<hbm>>
      tpu.enqueue_dma source(%dma_start3A_118 : memref<1x325x152xf32, #tpu.memory_space<hbm>>) target(%dma_start3A_115 : memref<1x325x152xf32, #tpu.memory_space<hbm>>) target_semaphore(%arg7 : memref<!tpu.dma_semaphore, #tpu.memory_space<semaphore_mem>>)
      %get3A_119 = arith.constant 2 : i32
      %get3A_120 = arith.index_cast %get3A_119 : i32 to index
      %get3A_121 = memref.load %arg4[%get3A_120] : memref<64xi32, #tpu.memory_space<smem>>
      %mul3A_122 = arith.constant 12 : i32
      %mul3A_123 = arith.muli %add3A, %mul3A_122 : i32
      %add3A_124 = arith.addi %mul3A_123, %get3A_121 : i32
      %mul3A_125 = arith.constant 36 : i32
      %mul3A_126 = arith.muli %add3A, %mul3A_125 : i32
      %add3A_127 = arith.constant 2 : i32
      %add3A_128 = arith.addi %mul3A_126, %add3A_127 : i32
      %dma_start3A_129 = arith.constant 0 : i32
      %dma_start3A_130 = arith.constant 0 : i32
      %dma_start3A_131 = tpu.memref_slice %arg3[%add3A_128, %dma_start3A_129, %dma_start3A_130] : memref<576x325x152xf32, #tpu.memory_space<hbm>> -> memref<1x325x152xf32, #tpu.memory_space<hbm>>
      %dma_start3A_132 = arith.constant 0 : i32
      %dma_start3A_133 = arith.constant 0 : i32
      %dma_start3A_134 = tpu.memref_slice %arg1[%add3A_124, %dma_start3A_132, %dma_start3A_133] : memref<192x325x152xf32, #tpu.memory_space<hbm>> -> memref<1x325x152xf32, #tpu.memory_space<hbm>>
      tpu.enqueue_dma source(%dma_start3A_134 : memref<1x325x152xf32, #tpu.memory_space<hbm>>) target(%dma_start3A_131 : memref<1x325x152xf32, #tpu.memory_space<hbm>>) target_semaphore(%arg7 : memref<!tpu.dma_semaphore, #tpu.memory_space<semaphore_mem>>)
      %get3A_135 = arith.constant 3 : i32
      %get3A_136 = arith.index_cast %get3A_135 : i32 to index
      %get3A_137 = memref.load %arg4[%get3A_136] : memref<64xi32, #tpu.memory_space<smem>>
      %mul3A_138 = arith.constant 12 : i32
      %mul3A_139 = arith.muli %add3A, %mul3A_138 : i32
      %add3A_140 = arith.addi %mul3A_139, %get3A_137 : i32
      %mul3A_141 = arith.constant 36 : i32
      %mul3A_142 = arith.muli %add3A, %mul3A_141 : i32
      %add3A_143 = arith.constant 3 : i32
      %add3A_144 = arith.addi %mul3A_142, %add3A_143 : i32
      %dma_start3A_145 = arith.constant 0 : i32
      %dma_start3A_146 = arith.constant 0 : i32
      %dma_start3A_147 = tpu.memref_slice %arg3[%add3A_144, %dma_start3A_145, %dma_start3A_146] : memref<576x325x152xf32, #tpu.memory_space<hbm>> -> memref<1x325x152xf32, #tpu.memory_space<hbm>>
      %dma_start3A_148 = arith.constant 0 : i32
      %dma_start3A_149 = arith.constant 0 : i32
      %dma_start3A_150 = tpu.memref_slice %arg1[%add3A_140, %dma_start3A_148, %dma_start3A_149] : memref<192x325x152xf32, #tpu.memory_space<hbm>> -> memref<1x325x152xf32, #tpu.memory_space<hbm>>
      tpu.enqueue_dma source(%dma_start3A_150 : memref<1x325x152xf32, #tpu.memory_space<hbm>>) target(%dma_start3A_147 : memref<1x325x152xf32, #tpu.memory_space<hbm>>) target_semaphore(%arg7 : memref<!tpu.dma_semaphore, #tpu.memory_space<semaphore_mem>>)
      %get3A_151 = arith.constant 4 : i32
      %get3A_152 = arith.index_cast %get3A_151 : i32 to index
      %get3A_153 = memref.load %arg4[%get3A_152] : memref<64xi32, #tpu.memory_space<smem>>
      %mul3A_154 = arith.constant 12 : i32
      %mul3A_155 = arith.muli %add3A, %mul3A_154 : i32
      %add3A_156 = arith.addi %mul3A_155, %get3A_153 : i32
      %mul3A_157 = arith.constant 36 : i32
      %mul3A_158 = arith.muli %add3A, %mul3A_157 : i32
      %add3A_159 = arith.constant 4 : i32
      %add3A_160 = arith.addi %mul3A_158, %add3A_159 : i32
      %dma_start3A_161 = arith.constant 0 : i32
      %dma_start3A_162 = arith.constant 0 : i32
      %dma_start3A_163 = tpu.memref_slice %arg3[%add3A_160, %dma_start3A_161, %dma_start3A_162] : memref<576x325x152xf32, #tpu.memory_space<hbm>> -> memref<1x325x152xf32, #tpu.memory_space<hbm>>
      %dma_start3A_164 = arith.constant 0 : i32
      %dma_start3A_165 = arith.constant 0 : i32
      %dma_start3A_166 = tpu.memref_slice %arg1[%add3A_156, %dma_start3A_164, %dma_start3A_165] : memref<192x325x152xf32, #tpu.memory_space<hbm>> -> memref<1x325x152xf32, #tpu.memory_space<hbm>>
      tpu.enqueue_dma source(%dma_start3A_166 : memref<1x325x152xf32, #tpu.memory_space<hbm>>) target(%dma_start3A_163 : memref<1x325x152xf32, #tpu.memory_space<hbm>>) target_semaphore(%arg7 : memref<!tpu.dma_semaphore, #tpu.memory_space<semaphore_mem>>)
      %get3A_167 = arith.constant 5 : i32
      %get3A_168 = arith.index_cast %get3A_167 : i32 to index
      %get3A_169 = memref.load %arg4[%get3A_168] : memref<64xi32, #tpu.memory_space<smem>>
      %mul3A_170 = arith.constant 12 : i32
      %mul3A_171 = arith.muli %add3A, %mul3A_170 : i32
      %add3A_172 = arith.addi %mul3A_171, %get3A_169 : i32
      %mul3A_173 = arith.constant 36 : i32
      %mul3A_174 = arith.muli %add3A, %mul3A_173 : i32
      %add3A_175 = arith.constant 5 : i32
      %add3A_176 = arith.addi %mul3A_174, %add3A_175 : i32
      %dma_start3A_177 = arith.constant 0 : i32
      %dma_start3A_178 = arith.constant 0 : i32
      %dma_start3A_179 = tpu.memref_slice %arg3[%add3A_176, %dma_start3A_177, %dma_start3A_178] : memref<576x325x152xf32, #tpu.memory_space<hbm>> -> memref<1x325x152xf32, #tpu.memory_space<hbm>>
      %dma_start3A_180 = arith.constant 0 : i32
      %dma_start3A_181 = arith.constant 0 : i32
      %dma_start3A_182 = tpu.memref_slice %arg1[%add3A_172, %dma_start3A_180, %dma_start3A_181] : memref<192x325x152xf32, #tpu.memory_space<hbm>> -> memref<1x325x152xf32, #tpu.memory_space<hbm>>
      tpu.enqueue_dma source(%dma_start3A_182 : memref<1x325x152xf32, #tpu.memory_space<hbm>>) target(%dma_start3A_179 : memref<1x325x152xf32, #tpu.memory_space<hbm>>) target_semaphore(%arg7 : memref<!tpu.dma_semaphore, #tpu.memory_space<semaphore_mem>>)
      %get3A_183 = arith.constant 6 : i32
      %get3A_184 = arith.index_cast %get3A_183 : i32 to index
      %get3A_185 = memref.load %arg4[%get3A_184] : memref<64xi32, #tpu.memory_space<smem>>
      %mul3A_186 = arith.constant 12 : i32
      %mul3A_187 = arith.muli %add3A, %mul3A_186 : i32
      %add3A_188 = arith.addi %mul3A_187, %get3A_185 : i32
      %mul3A_189 = arith.constant 36 : i32
      %mul3A_190 = arith.muli %add3A, %mul3A_189 : i32
      %add3A_191 = arith.constant 6 : i32
      %add3A_192 = arith.addi %mul3A_190, %add3A_191 : i32
      %dma_start3A_193 = arith.constant 0 : i32
      %dma_start3A_194 = arith.constant 0 : i32
      %dma_start3A_195 = tpu.memref_slice %arg3[%add3A_192, %dma_start3A_193, %dma_start3A_194] : memref<576x325x152xf32, #tpu.memory_space<hbm>> -> memref<1x325x152xf32, #tpu.memory_space<hbm>>
      %dma_start3A_196 = arith.constant 0 : i32
      %dma_start3A_197 = arith.constant 0 : i32
      %dma_start3A_198 = tpu.memref_slice %arg1[%add3A_188, %dma_start3A_196, %dma_start3A_197] : memref<192x325x152xf32, #tpu.memory_space<hbm>> -> memref<1x325x152xf32, #tpu.memory_space<hbm>>
      tpu.enqueue_dma source(%dma_start3A_198 : memref<1x325x152xf32, #tpu.memory_space<hbm>>) target(%dma_start3A_195 : memref<1x325x152xf32, #tpu.memory_space<hbm>>) target_semaphore(%arg7 : memref<!tpu.dma_semaphore, #tpu.memory_space<semaphore_mem>>)
      %get3A_199 = arith.constant 7 : i32
      %get3A_200 = arith.index_cast %get3A_199 : i32 to index
      %get3A_201 = memref.load %arg4[%get3A_200] : memref<64xi32, #tpu.memory_space<smem>>
      %mul3A_202 = arith.constant 12 : i32
      %mul3A_203 = arith.muli %add3A, %mul3A_202 : i32
      %add3A_204 = arith.addi %mul3A_203, %get3A_201 : i32
      %mul3A_205 = arith.constant 36 : i32
      %mul3A_206 = arith.muli %add3A, %mul3A_205 : i32
      %add3A_207 = arith.constant 7 : i32
      %add3A_208 = arith.addi %mul3A_206, %add3A_207 : i32
      %dma_start3A_209 = arith.constant 0 : i32
      %dma_start3A_210 = arith.constant 0 : i32
      %dma_start3A_211 = tpu.memref_slice %arg3[%add3A_208, %dma_start3A_209, %dma_start3A_210] : memref<576x325x152xf32, #tpu.memory_space<hbm>> -> memref<1x325x152xf32, #tpu.memory_space<hbm>>
      %dma_start3A_212 = arith.constant 0 : i32
      %dma_start3A_213 = arith.constant 0 : i32
      %dma_start3A_214 = tpu.memref_slice %arg1[%add3A_204, %dma_start3A_212, %dma_start3A_213] : memref<192x325x152xf32, #tpu.memory_space<hbm>> -> memref<1x325x152xf32, #tpu.memory_space<hbm>>
      tpu.enqueue_dma source(%dma_start3A_214 : memref<1x325x152xf32, #tpu.memory_space<hbm>>) target(%dma_start3A_211 : memref<1x325x152xf32, #tpu.memory_space<hbm>>) target_semaphore(%arg7 : memref<!tpu.dma_semaphore, #tpu.memory_space<semaphore_mem>>)
      %get3A_215 = arith.constant 8 : i32
      %get3A_216 = arith.index_cast %get3A_215 : i32 to index
      %get3A_217 = memref.load %arg4[%get3A_216] : memref<64xi32, #tpu.memory_space<smem>>
      %mul3A_218 = arith.constant 12 : i32
      %mul3A_219 = arith.muli %add3A, %mul3A_218 : i32
      %add3A_220 = arith.addi %mul3A_219, %get3A_217 : i32
      %mul3A_221 = arith.constant 36 : i32
      %mul3A_222 = arith.muli %add3A, %mul3A_221 : i32
      %add3A_223 = arith.constant 8 : i32
      %add3A_224 = arith.addi %mul3A_222, %add3A_223 : i32
      %dma_start3A_225 = arith.constant 0 : i32
      %dma_start3A_226 = arith.constant 0 : i32
      %dma_start3A_227 = tpu.memref_slice %arg3[%add3A_224, %dma_start3A_225, %dma_start3A_226] : memref<576x325x152xf32, #tpu.memory_space<hbm>> -> memref<1x325x152xf32, #tpu.memory_space<hbm>>
      %dma_start3A_228 = arith.constant 0 : i32
      %dma_start3A_229 = arith.constant 0 : i32
      %dma_start3A_230 = tpu.memref_slice %arg1[%add3A_220, %dma_start3A_228, %dma_start3A_229] : memref<192x325x152xf32, #tpu.memory_space<hbm>> -> memref<1x325x152xf32, #tpu.memory_space<hbm>>
      tpu.enqueue_dma source(%dma_start3A_230 : memref<1x325x152xf32, #tpu.memory_space<hbm>>) target(%dma_start3A_227 : memref<1x325x152xf32, #tpu.memory_space<hbm>>) target_semaphore(%arg7 : memref<!tpu.dma_semaphore, #tpu.memory_space<semaphore_mem>>)
      %get3A_231 = arith.constant 9 : i32
      %get3A_232 = arith.index_cast %get3A_231 : i32 to index
      %get3A_233 = memref.load %arg4[%get3A_232] : memref<64xi32, #tpu.memory_space<smem>>
      %mul3A_234 = arith.constant 12 : i32
      %mul3A_235 = arith.muli %add3A, %mul3A_234 : i32
      %add3A_236 = arith.addi %mul3A_235, %get3A_233 : i32
      %mul3A_237 = arith.constant 36 : i32
      %mul3A_238 = arith.muli %add3A, %mul3A_237 : i32
      %add3A_239 = arith.constant 9 : i32
      %add3A_240 = arith.addi %mul3A_238, %add3A_239 : i32
      %dma_start3A_241 = arith.constant 0 : i32
      %dma_start3A_242 = arith.constant 0 : i32
      %dma_start3A_243 = tpu.memref_slice %arg3[%add3A_240, %dma_start3A_241, %dma_start3A_242] : memref<576x325x152xf32, #tpu.memory_space<hbm>> -> memref<1x325x152xf32, #tpu.memory_space<hbm>>
      %dma_start3A_244 = arith.constant 0 : i32
      %dma_start3A_245 = arith.constant 0 : i32
      %dma_start3A_246 = tpu.memref_slice %arg1[%add3A_236, %dma_start3A_244, %dma_start3A_245] : memref<192x325x152xf32, #tpu.memory_space<hbm>> -> memref<1x325x152xf32, #tpu.memory_space<hbm>>
      tpu.enqueue_dma source(%dma_start3A_246 : memref<1x325x152xf32, #tpu.memory_space<hbm>>) target(%dma_start3A_243 : memref<1x325x152xf32, #tpu.memory_space<hbm>>) target_semaphore(%arg7 : memref<!tpu.dma_semaphore, #tpu.memory_space<semaphore_mem>>)
      %get3A_247 = arith.constant 10 : i32
      %get3A_248 = arith.index_cast %get3A_247 : i32 to index
      %get3A_249 = memref.load %arg4[%get3A_248] : memref<64xi32, #tpu.memory_space<smem>>
      %mul3A_250 = arith.constant 12 : i32
      %mul3A_251 = arith.muli %add3A, %mul3A_250 : i32
      %add3A_252 = arith.addi %mul3A_251, %get3A_249 : i32
      %mul3A_253 = arith.constant 36 : i32
      %mul3A_254 = arith.muli %add3A, %mul3A_253 : i32
      %add3A_255 = arith.constant 10 : i32
      %add3A_256 = arith.addi %mul3A_254, %add3A_255 : i32
      %dma_start3A_257 = arith.constant 0 : i32
      %dma_start3A_258 = arith.constant 0 : i32
      %dma_start3A_259 = tpu.memref_slice %arg3[%add3A_256, %dma_start3A_257, %dma_start3A_258] : memref<576x325x152xf32, #tpu.memory_space<hbm>> -> memref<1x325x152xf32, #tpu.memory_space<hbm>>
      %dma_start3A_260 = arith.constant 0 : i32
      %dma_start3A_261 = arith.constant 0 : i32
      %dma_start3A_262 = tpu.memref_slice %arg1[%add3A_252, %dma_start3A_260, %dma_start3A_261] : memref<192x325x152xf32, #tpu.memory_space<hbm>> -> memref<1x325x152xf32, #tpu.memory_space<hbm>>
      tpu.enqueue_dma source(%dma_start3A_262 : memref<1x325x152xf32, #tpu.memory_space<hbm>>) target(%dma_start3A_259 : memref<1x325x152xf32, #tpu.memory_space<hbm>>) target_semaphore(%arg7 : memref<!tpu.dma_semaphore, #tpu.memory_space<semaphore_mem>>)
      %get3A_263 = arith.constant 11 : i32
      %get3A_264 = arith.index_cast %get3A_263 : i32 to index
      %get3A_265 = memref.load %arg4[%get3A_264] : memref<64xi32, #tpu.memory_space<smem>>
      %mul3A_266 = arith.constant 12 : i32
      %mul3A_267 = arith.muli %add3A, %mul3A_266 : i32
      %add3A_268 = arith.addi %mul3A_267, %get3A_265 : i32
      %mul3A_269 = arith.constant 36 : i32
      %mul3A_270 = arith.muli %add3A, %mul3A_269 : i32
      %add3A_271 = arith.constant 11 : i32
      %add3A_272 = arith.addi %mul3A_270, %add3A_271 : i32
      %dma_start3A_273 = arith.constant 0 : i32
      %dma_start3A_274 = arith.constant 0 : i32
      %dma_start3A_275 = tpu.memref_slice %arg3[%add3A_272, %dma_start3A_273, %dma_start3A_274] : memref<576x325x152xf32, #tpu.memory_space<hbm>> -> memref<1x325x152xf32, #tpu.memory_space<hbm>>
      %dma_start3A_276 = arith.constant 0 : i32
      %dma_start3A_277 = arith.constant 0 : i32
      %dma_start3A_278 = tpu.memref_slice %arg1[%add3A_268, %dma_start3A_276, %dma_start3A_277] : memref<192x325x152xf32, #tpu.memory_space<hbm>> -> memref<1x325x152xf32, #tpu.memory_space<hbm>>
      tpu.enqueue_dma source(%dma_start3A_278 : memref<1x325x152xf32, #tpu.memory_space<hbm>>) target(%dma_start3A_275 : memref<1x325x152xf32, #tpu.memory_space<hbm>>) target_semaphore(%arg7 : memref<!tpu.dma_semaphore, #tpu.memory_space<semaphore_mem>>)
      %get3A_279 = arith.constant 12 : i32
      %get3A_280 = arith.index_cast %get3A_279 : i32 to index
      %get3A_281 = memref.load %arg4[%get3A_280] : memref<64xi32, #tpu.memory_space<smem>>
      %mul3A_282 = arith.constant 12 : i32
      %mul3A_283 = arith.muli %add3A, %mul3A_282 : i32
      %add3A_284 = arith.addi %mul3A_283, %get3A_281 : i32
      %mul3A_285 = arith.constant 36 : i32
      %mul3A_286 = arith.muli %add3A, %mul3A_285 : i32
      %add3A_287 = arith.constant 12 : i32
      %add3A_288 = arith.addi %mul3A_286, %add3A_287 : i32
      %dma_start3A_289 = arith.constant 0 : i32
      %dma_start3A_290 = arith.constant 0 : i32
      %dma_start3A_291 = tpu.memref_slice %arg3[%add3A_288, %dma_start3A_289, %dma_start3A_290] : memref<576x325x152xf32, #tpu.memory_space<hbm>> -> memref<1x325x152xf32, #tpu.memory_space<hbm>>
      %dma_start3A_292 = arith.constant 0 : i32
      %dma_start3A_293 = arith.constant 0 : i32
      %dma_start3A_294 = tpu.memref_slice %arg1[%add3A_284, %dma_start3A_292, %dma_start3A_293] : memref<192x325x152xf32, #tpu.memory_space<hbm>> -> memref<1x325x152xf32, #tpu.memory_space<hbm>>
      tpu.enqueue_dma source(%dma_start3A_294 : memref<1x325x152xf32, #tpu.memory_space<hbm>>) target(%dma_start3A_291 : memref<1x325x152xf32, #tpu.memory_space<hbm>>) target_semaphore(%arg7 : memref<!tpu.dma_semaphore, #tpu.memory_space<semaphore_mem>>)
      %get3A_295 = arith.constant 13 : i32
      %get3A_296 = arith.index_cast %get3A_295 : i32 to index
      %get3A_297 = memref.load %arg4[%get3A_296] : memref<64xi32, #tpu.memory_space<smem>>
      %mul3A_298 = arith.constant 12 : i32
      %mul3A_299 = arith.muli %add3A, %mul3A_298 : i32
      %add3A_300 = arith.addi %mul3A_299, %get3A_297 : i32
      %mul3A_301 = arith.constant 36 : i32
      %mul3A_302 = arith.muli %add3A, %mul3A_301 : i32
      %add3A_303 = arith.constant 13 : i32
      %add3A_304 = arith.addi %mul3A_302, %add3A_303 : i32
      %dma_start3A_305 = arith.constant 0 : i32
      %dma_start3A_306 = arith.constant 0 : i32
      %dma_start3A_307 = tpu.memref_slice %arg3[%add3A_304, %dma_start3A_305, %dma_start3A_306] : memref<576x325x152xf32, #tpu.memory_space<hbm>> -> memref<1x325x152xf32, #tpu.memory_space<hbm>>
      %dma_start3A_308 = arith.constant 0 : i32
      %dma_start3A_309 = arith.constant 0 : i32
      %dma_start3A_310 = tpu.memref_slice %arg1[%add3A_300, %dma_start3A_308, %dma_start3A_309] : memref<192x325x152xf32, #tpu.memory_space<hbm>> -> memref<1x325x152xf32, #tpu.memory_space<hbm>>
      tpu.enqueue_dma source(%dma_start3A_310 : memref<1x325x152xf32, #tpu.memory_space<hbm>>) target(%dma_start3A_307 : memref<1x325x152xf32, #tpu.memory_space<hbm>>) target_semaphore(%arg7 : memref<!tpu.dma_semaphore, #tpu.memory_space<semaphore_mem>>)
      %get3A_311 = arith.constant 14 : i32
      %get3A_312 = arith.index_cast %get3A_311 : i32 to index
      %get3A_313 = memref.load %arg4[%get3A_312] : memref<64xi32, #tpu.memory_space<smem>>
      %mul3A_314 = arith.constant 12 : i32
      %mul3A_315 = arith.muli %add3A, %mul3A_314 : i32
      %add3A_316 = arith.addi %mul3A_315, %get3A_313 : i32
      %mul3A_317 = arith.constant 36 : i32
      %mul3A_318 = arith.muli %add3A, %mul3A_317 : i32
      %add3A_319 = arith.constant 14 : i32
      %add3A_320 = arith.addi %mul3A_318, %add3A_319 : i32
      %dma_start3A_321 = arith.constant 0 : i32
      %dma_start3A_322 = arith.constant 0 : i32
      %dma_start3A_323 = tpu.memref_slice %arg3[%add3A_320, %dma_start3A_321, %dma_start3A_322] : memref<576x325x152xf32, #tpu.memory_space<hbm>> -> memref<1x325x152xf32, #tpu.memory_space<hbm>>
      %dma_start3A_324 = arith.constant 0 : i32
      %dma_start3A_325 = arith.constant 0 : i32
      %dma_start3A_326 = tpu.memref_slice %arg1[%add3A_316, %dma_start3A_324, %dma_start3A_325] : memref<192x325x152xf32, #tpu.memory_space<hbm>> -> memref<1x325x152xf32, #tpu.memory_space<hbm>>
      tpu.enqueue_dma source(%dma_start3A_326 : memref<1x325x152xf32, #tpu.memory_space<hbm>>) target(%dma_start3A_323 : memref<1x325x152xf32, #tpu.memory_space<hbm>>) target_semaphore(%arg7 : memref<!tpu.dma_semaphore, #tpu.memory_space<semaphore_mem>>)
      %get3A_327 = arith.constant 15 : i32
      %get3A_328 = arith.index_cast %get3A_327 : i32 to index
      %get3A_329 = memref.load %arg4[%get3A_328] : memref<64xi32, #tpu.memory_space<smem>>
      %mul3A_330 = arith.constant 12 : i32
      %mul3A_331 = arith.muli %add3A, %mul3A_330 : i32
      %add3A_332 = arith.addi %mul3A_331, %get3A_329 : i32
      %mul3A_333 = arith.constant 36 : i32
      %mul3A_334 = arith.muli %add3A, %mul3A_333 : i32
      %add3A_335 = arith.constant 15 : i32
      %add3A_336 = arith.addi %mul3A_334, %add3A_335 : i32
      %dma_start3A_337 = arith.constant 0 : i32
      %dma_start3A_338 = arith.constant 0 : i32
      %dma_start3A_339 = tpu.memref_slice %arg3[%add3A_336, %dma_start3A_337, %dma_start3A_338] : memref<576x325x152xf32, #tpu.memory_space<hbm>> -> memref<1x325x152xf32, #tpu.memory_space<hbm>>
      %dma_start3A_340 = arith.constant 0 : i32
      %dma_start3A_341 = arith.constant 0 : i32
      %dma_start3A_342 = tpu.memref_slice %arg1[%add3A_332, %dma_start3A_340, %dma_start3A_341] : memref<192x325x152xf32, #tpu.memory_space<hbm>> -> memref<1x325x152xf32, #tpu.memory_space<hbm>>
      tpu.enqueue_dma source(%dma_start3A_342 : memref<1x325x152xf32, #tpu.memory_space<hbm>>) target(%dma_start3A_339 : memref<1x325x152xf32, #tpu.memory_space<hbm>>) target_semaphore(%arg7 : memref<!tpu.dma_semaphore, #tpu.memory_space<semaphore_mem>>)
      %get3A_343 = arith.constant 16 : i32
      %get3A_344 = arith.index_cast %get3A_343 : i32 to index
      %get3A_345 = memref.load %arg4[%get3A_344] : memref<64xi32, #tpu.memory_space<smem>>
      %mul3A_346 = arith.constant 12 : i32
      %mul3A_347 = arith.muli %add3A, %mul3A_346 : i32
      %add3A_348 = arith.addi %mul3A_347, %get3A_345 : i32
      %mul3A_349 = arith.constant 36 : i32
      %mul3A_350 = arith.muli %add3A, %mul3A_349 : i32
      %add3A_351 = arith.constant 16 : i32
      %add3A_352 = arith.addi %mul3A_350, %add3A_351 : i32
      %dma_start3A_353 = arith.constant 0 : i32
      %dma_start3A_354 = arith.constant 0 : i32
      %dma_start3A_355 = tpu.memref_slice %arg3[%add3A_352, %dma_start3A_353, %dma_start3A_354] : memref<576x325x152xf32, #tpu.memory_space<hbm>> -> memref<1x325x152xf32, #tpu.memory_space<hbm>>
      %dma_start3A_356 = arith.constant 0 : i32
      %dma_start3A_357 = arith.constant 0 : i32
      %dma_start3A_358 = tpu.memref_slice %arg1[%add3A_348, %dma_start3A_356, %dma_start3A_357] : memref<192x325x152xf32, #tpu.memory_space<hbm>> -> memref<1x325x152xf32, #tpu.memory_space<hbm>>
      tpu.enqueue_dma source(%dma_start3A_358 : memref<1x325x152xf32, #tpu.memory_space<hbm>>) target(%dma_start3A_355 : memref<1x325x152xf32, #tpu.memory_space<hbm>>) target_semaphore(%arg7 : memref<!tpu.dma_semaphore, #tpu.memory_space<semaphore_mem>>)
      %get3A_359 = arith.constant 17 : i32
      %get3A_360 = arith.index_cast %get3A_359 : i32 to index
      %get3A_361 = memref.load %arg4[%get3A_360] : memref<64xi32, #tpu.memory_space<smem>>
      %mul3A_362 = arith.constant 12 : i32
      %mul3A_363 = arith.muli %add3A, %mul3A_362 : i32
      %add3A_364 = arith.addi %mul3A_363, %get3A_361 : i32
      %mul3A_365 = arith.constant 36 : i32
      %mul3A_366 = arith.muli %add3A, %mul3A_365 : i32
      %add3A_367 = arith.constant 17 : i32
      %add3A_368 = arith.addi %mul3A_366, %add3A_367 : i32
      %dma_start3A_369 = arith.constant 0 : i32
      %dma_start3A_370 = arith.constant 0 : i32
      %dma_start3A_371 = tpu.memref_slice %arg3[%add3A_368, %dma_start3A_369, %dma_start3A_370] : memref<576x325x152xf32, #tpu.memory_space<hbm>> -> memref<1x325x152xf32, #tpu.memory_space<hbm>>
      %dma_start3A_372 = arith.constant 0 : i32
      %dma_start3A_373 = arith.constant 0 : i32
      %dma_start3A_374 = tpu.memref_slice %arg1[%add3A_364, %dma_start3A_372, %dma_start3A_373] : memref<192x325x152xf32, #tpu.memory_space<hbm>> -> memref<1x325x152xf32, #tpu.memory_space<hbm>>
      tpu.enqueue_dma source(%dma_start3A_374 : memref<1x325x152xf32, #tpu.memory_space<hbm>>) target(%dma_start3A_371 : memref<1x325x152xf32, #tpu.memory_space<hbm>>) target_semaphore(%arg7 : memref<!tpu.dma_semaphore, #tpu.memory_space<semaphore_mem>>)
      %get3A_375 = arith.constant 18 : i32
      %get3A_376 = arith.index_cast %get3A_375 : i32 to index
      %get3A_377 = memref.load %arg4[%get3A_376] : memref<64xi32, #tpu.memory_space<smem>>
      %mul3A_378 = arith.constant 12 : i32
      %mul3A_379 = arith.muli %add3A, %mul3A_378 : i32
      %add3A_380 = arith.addi %mul3A_379, %get3A_377 : i32
      %mul3A_381 = arith.constant 36 : i32
      %mul3A_382 = arith.muli %add3A, %mul3A_381 : i32
      %add3A_383 = arith.constant 18 : i32
      %add3A_384 = arith.addi %mul3A_382, %add3A_383 : i32
      %dma_start3A_385 = arith.constant 0 : i32
      %dma_start3A_386 = arith.constant 0 : i32
      %dma_start3A_387 = tpu.memref_slice %arg3[%add3A_384, %dma_start3A_385, %dma_start3A_386] : memref<576x325x152xf32, #tpu.memory_space<hbm>> -> memref<1x325x152xf32, #tpu.memory_space<hbm>>
      %dma_start3A_388 = arith.constant 0 : i32
      %dma_start3A_389 = arith.constant 0 : i32
      %dma_start3A_390 = tpu.memref_slice %arg1[%add3A_380, %dma_start3A_388, %dma_start3A_389] : memref<192x325x152xf32, #tpu.memory_space<hbm>> -> memref<1x325x152xf32, #tpu.memory_space<hbm>>
      tpu.enqueue_dma source(%dma_start3A_390 : memref<1x325x152xf32, #tpu.memory_space<hbm>>) target(%dma_start3A_387 : memref<1x325x152xf32, #tpu.memory_space<hbm>>) target_semaphore(%arg7 : memref<!tpu.dma_semaphore, #tpu.memory_space<semaphore_mem>>)
      %get3A_391 = arith.constant 19 : i32
      %get3A_392 = arith.index_cast %get3A_391 : i32 to index
      %get3A_393 = memref.load %arg4[%get3A_392] : memref<64xi32, #tpu.memory_space<smem>>
      %mul3A_394 = arith.constant 12 : i32
      %mul3A_395 = arith.muli %add3A, %mul3A_394 : i32
      %add3A_396 = arith.addi %mul3A_395, %get3A_393 : i32
      %mul3A_397 = arith.constant 36 : i32
      %mul3A_398 = arith.muli %add3A, %mul3A_397 : i32
      %add3A_399 = arith.constant 19 : i32
      %add3A_400 = arith.addi %mul3A_398, %add3A_399 : i32
      %dma_start3A_401 = arith.constant 0 : i32
      %dma_start3A_402 = arith.constant 0 : i32
      %dma_start3A_403 = tpu.memref_slice %arg3[%add3A_400, %dma_start3A_401, %dma_start3A_402] : memref<576x325x152xf32, #tpu.memory_space<hbm>> -> memref<1x325x152xf32, #tpu.memory_space<hbm>>
      %dma_start3A_404 = arith.constant 0 : i32
      %dma_start3A_405 = arith.constant 0 : i32
      %dma_start3A_406 = tpu.memref_slice %arg1[%add3A_396, %dma_start3A_404, %dma_start3A_405] : memref<192x325x152xf32, #tpu.memory_space<hbm>> -> memref<1x325x152xf32, #tpu.memory_space<hbm>>
      tpu.enqueue_dma source(%dma_start3A_406 : memref<1x325x152xf32, #tpu.memory_space<hbm>>) target(%dma_start3A_403 : memref<1x325x152xf32, #tpu.memory_space<hbm>>) target_semaphore(%arg7 : memref<!tpu.dma_semaphore, #tpu.memory_space<semaphore_mem>>)
      %get3A_407 = arith.constant 20 : i32
      %get3A_408 = arith.index_cast %get3A_407 : i32 to index
      %get3A_409 = memref.load %arg4[%get3A_408] : memref<64xi32, #tpu.memory_space<smem>>
      %mul3A_410 = arith.constant 12 : i32
      %mul3A_411 = arith.muli %add3A, %mul3A_410 : i32
      %add3A_412 = arith.addi %mul3A_411, %get3A_409 : i32
      %mul3A_413 = arith.constant 36 : i32
      %mul3A_414 = arith.muli %add3A, %mul3A_413 : i32
      %add3A_415 = arith.constant 20 : i32
      %add3A_416 = arith.addi %mul3A_414, %add3A_415 : i32
      %dma_start3A_417 = arith.constant 0 : i32
      %dma_start3A_418 = arith.constant 0 : i32
      %dma_start3A_419 = tpu.memref_slice %arg3[%add3A_416, %dma_start3A_417, %dma_start3A_418] : memref<576x325x152xf32, #tpu.memory_space<hbm>> -> memref<1x325x152xf32, #tpu.memory_space<hbm>>
      %dma_start3A_420 = arith.constant 0 : i32
      %dma_start3A_421 = arith.constant 0 : i32
      %dma_start3A_422 = tpu.memref_slice %arg1[%add3A_412, %dma_start3A_420, %dma_start3A_421] : memref<192x325x152xf32, #tpu.memory_space<hbm>> -> memref<1x325x152xf32, #tpu.memory_space<hbm>>
      tpu.enqueue_dma source(%dma_start3A_422 : memref<1x325x152xf32, #tpu.memory_space<hbm>>) target(%dma_start3A_419 : memref<1x325x152xf32, #tpu.memory_space<hbm>>) target_semaphore(%arg7 : memref<!tpu.dma_semaphore, #tpu.memory_space<semaphore_mem>>)
      %get3A_423 = arith.constant 21 : i32
      %get3A_424 = arith.index_cast %get3A_423 : i32 to index
      %get3A_425 = memref.load %arg4[%get3A_424] : memref<64xi32, #tpu.memory_space<smem>>
      %mul3A_426 = arith.constant 12 : i32
      %mul3A_427 = arith.muli %add3A, %mul3A_426 : i32
      %add3A_428 = arith.addi %mul3A_427, %get3A_425 : i32
      %mul3A_429 = arith.constant 36 : i32
      %mul3A_430 = arith.muli %add3A, %mul3A_429 : i32
      %add3A_431 = arith.constant 21 : i32
      %add3A_432 = arith.addi %mul3A_430, %add3A_431 : i32
      %dma_start3A_433 = arith.constant 0 : i32
      %dma_start3A_434 = arith.constant 0 : i32
      %dma_start3A_435 = tpu.memref_slice %arg3[%add3A_432, %dma_start3A_433, %dma_start3A_434] : memref<576x325x152xf32, #tpu.memory_space<hbm>> -> memref<1x325x152xf32, #tpu.memory_space<hbm>>
      %dma_start3A_436 = arith.constant 0 : i32
      %dma_start3A_437 = arith.constant 0 : i32
      %dma_start3A_438 = tpu.memref_slice %arg1[%add3A_428, %dma_start3A_436, %dma_start3A_437] : memref<192x325x152xf32, #tpu.memory_space<hbm>> -> memref<1x325x152xf32, #tpu.memory_space<hbm>>
      tpu.enqueue_dma source(%dma_start3A_438 : memref<1x325x152xf32, #tpu.memory_space<hbm>>) target(%dma_start3A_435 : memref<1x325x152xf32, #tpu.memory_space<hbm>>) target_semaphore(%arg7 : memref<!tpu.dma_semaphore, #tpu.memory_space<semaphore_mem>>)
      %get3A_439 = arith.constant 22 : i32
      %get3A_440 = arith.index_cast %get3A_439 : i32 to index
      %get3A_441 = memref.load %arg4[%get3A_440] : memref<64xi32, #tpu.memory_space<smem>>
      %mul3A_442 = arith.constant 12 : i32
      %mul3A_443 = arith.muli %add3A, %mul3A_442 : i32
      %add3A_444 = arith.addi %mul3A_443, %get3A_441 : i32
      %mul3A_445 = arith.constant 36 : i32
      %mul3A_446 = arith.muli %add3A, %mul3A_445 : i32
      %add3A_447 = arith.constant 22 : i32
      %add3A_448 = arith.addi %mul3A_446, %add3A_447 : i32
      %dma_start3A_449 = arith.constant 0 : i32
      %dma_start3A_450 = arith.constant 0 : i32
      %dma_start3A_451 = tpu.memref_slice %arg3[%add3A_448, %dma_start3A_449, %dma_start3A_450] : memref<576x325x152xf32, #tpu.memory_space<hbm>> -> memref<1x325x152xf32, #tpu.memory_space<hbm>>
      %dma_start3A_452 = arith.constant 0 : i32
      %dma_start3A_453 = arith.constant 0 : i32
      %dma_start3A_454 = tpu.memref_slice %arg1[%add3A_444, %dma_start3A_452, %dma_start3A_453] : memref<192x325x152xf32, #tpu.memory_space<hbm>> -> memref<1x325x152xf32, #tpu.memory_space<hbm>>
      tpu.enqueue_dma source(%dma_start3A_454 : memref<1x325x152xf32, #tpu.memory_space<hbm>>) target(%dma_start3A_451 : memref<1x325x152xf32, #tpu.memory_space<hbm>>) target_semaphore(%arg7 : memref<!tpu.dma_semaphore, #tpu.memory_space<semaphore_mem>>)
      %get3A_455 = arith.constant 23 : i32
      %get3A_456 = arith.index_cast %get3A_455 : i32 to index
      %get3A_457 = memref.load %arg4[%get3A_456] : memref<64xi32, #tpu.memory_space<smem>>
      %mul3A_458 = arith.constant 12 : i32
      %mul3A_459 = arith.muli %add3A, %mul3A_458 : i32
      %add3A_460 = arith.addi %mul3A_459, %get3A_457 : i32
      %mul3A_461 = arith.constant 36 : i32
      %mul3A_462 = arith.muli %add3A, %mul3A_461 : i32
      %add3A_463 = arith.constant 23 : i32
      %add3A_464 = arith.addi %mul3A_462, %add3A_463 : i32
      %dma_start3A_465 = arith.constant 0 : i32
      %dma_start3A_466 = arith.constant 0 : i32
      %dma_start3A_467 = tpu.memref_slice %arg3[%add3A_464, %dma_start3A_465, %dma_start3A_466] : memref<576x325x152xf32, #tpu.memory_space<hbm>> -> memref<1x325x152xf32, #tpu.memory_space<hbm>>
      %dma_start3A_468 = arith.constant 0 : i32
      %dma_start3A_469 = arith.constant 0 : i32
      %dma_start3A_470 = tpu.memref_slice %arg1[%add3A_460, %dma_start3A_468, %dma_start3A_469] : memref<192x325x152xf32, #tpu.memory_space<hbm>> -> memref<1x325x152xf32, #tpu.memory_space<hbm>>
      tpu.enqueue_dma source(%dma_start3A_470 : memref<1x325x152xf32, #tpu.memory_space<hbm>>) target(%dma_start3A_467 : memref<1x325x152xf32, #tpu.memory_space<hbm>>) target_semaphore(%arg7 : memref<!tpu.dma_semaphore, #tpu.memory_space<semaphore_mem>>)
      %get3A_471 = arith.constant 24 : i32
      %get3A_472 = arith.index_cast %get3A_471 : i32 to index
      %get3A_473 = memref.load %arg4[%get3A_472] : memref<64xi32, #tpu.memory_space<smem>>
      %mul3A_474 = arith.constant 12 : i32
      %mul3A_475 = arith.muli %add3A, %mul3A_474 : i32
      %add3A_476 = arith.addi %mul3A_475, %get3A_473 : i32
      %mul3A_477 = arith.constant 36 : i32
      %mul3A_478 = arith.muli %add3A, %mul3A_477 : i32
      %add3A_479 = arith.constant 24 : i32
      %add3A_480 = arith.addi %mul3A_478, %add3A_479 : i32
      %dma_start3A_481 = arith.constant 0 : i32
      %dma_start3A_482 = arith.constant 0 : i32
      %dma_start3A_483 = tpu.memref_slice %arg3[%add3A_480, %dma_start3A_481, %dma_start3A_482] : memref<576x325x152xf32, #tpu.memory_space<hbm>> -> memref<1x325x152xf32, #tpu.memory_space<hbm>>
      %dma_start3A_484 = arith.constant 0 : i32
      %dma_start3A_485 = arith.constant 0 : i32
      %dma_start3A_486 = tpu.memref_slice %arg1[%add3A_476, %dma_start3A_484, %dma_start3A_485] : memref<192x325x152xf32, #tpu.memory_space<hbm>> -> memref<1x325x152xf32, #tpu.memory_space<hbm>>
      tpu.enqueue_dma source(%dma_start3A_486 : memref<1x325x152xf32, #tpu.memory_space<hbm>>) target(%dma_start3A_483 : memref<1x325x152xf32, #tpu.memory_space<hbm>>) target_semaphore(%arg7 : memref<!tpu.dma_semaphore, #tpu.memory_space<semaphore_mem>>)
      %get3A_487 = arith.constant 25 : i32
      %get3A_488 = arith.index_cast %get3A_487 : i32 to index
      %get3A_489 = memref.load %arg4[%get3A_488] : memref<64xi32, #tpu.memory_space<smem>>
      %mul3A_490 = arith.constant 12 : i32
      %mul3A_491 = arith.muli %add3A, %mul3A_490 : i32
      %add3A_492 = arith.addi %mul3A_491, %get3A_489 : i32
      %mul3A_493 = arith.constant 36 : i32
      %mul3A_494 = arith.muli %add3A, %mul3A_493 : i32
      %add3A_495 = arith.constant 25 : i32
      %add3A_496 = arith.addi %mul3A_494, %add3A_495 : i32
      %dma_start3A_497 = arith.constant 0 : i32
      %dma_start3A_498 = arith.constant 0 : i32
      %dma_start3A_499 = tpu.memref_slice %arg3[%add3A_496, %dma_start3A_497, %dma_start3A_498] : memref<576x325x152xf32, #tpu.memory_space<hbm>> -> memref<1x325x152xf32, #tpu.memory_space<hbm>>
      %dma_start3A_500 = arith.constant 0 : i32
      %dma_start3A_501 = arith.constant 0 : i32
      %dma_start3A_502 = tpu.memref_slice %arg1[%add3A_492, %dma_start3A_500, %dma_start3A_501] : memref<192x325x152xf32, #tpu.memory_space<hbm>> -> memref<1x325x152xf32, #tpu.memory_space<hbm>>
      tpu.enqueue_dma source(%dma_start3A_502 : memref<1x325x152xf32, #tpu.memory_space<hbm>>) target(%dma_start3A_499 : memref<1x325x152xf32, #tpu.memory_space<hbm>>) target_semaphore(%arg7 : memref<!tpu.dma_semaphore, #tpu.memory_space<semaphore_mem>>)
      %get3A_503 = arith.constant 26 : i32
      %get3A_504 = arith.index_cast %get3A_503 : i32 to index
      %get3A_505 = memref.load %arg4[%get3A_504] : memref<64xi32, #tpu.memory_space<smem>>
      %mul3A_506 = arith.constant 12 : i32
      %mul3A_507 = arith.muli %add3A, %mul3A_506 : i32
      %add3A_508 = arith.addi %mul3A_507, %get3A_505 : i32
      %mul3A_509 = arith.constant 36 : i32
      %mul3A_510 = arith.muli %add3A, %mul3A_509 : i32
      %add3A_511 = arith.constant 26 : i32
      %add3A_512 = arith.addi %mul3A_510, %add3A_511 : i32
      %dma_start3A_513 = arith.constant 0 : i32
      %dma_start3A_514 = arith.constant 0 : i32
      %dma_start3A_515 = tpu.memref_slice %arg3[%add3A_512, %dma_start3A_513, %dma_start3A_514] : memref<576x325x152xf32, #tpu.memory_space<hbm>> -> memref<1x325x152xf32, #tpu.memory_space<hbm>>
      %dma_start3A_516 = arith.constant 0 : i32
      %dma_start3A_517 = arith.constant 0 : i32
      %dma_start3A_518 = tpu.memref_slice %arg1[%add3A_508, %dma_start3A_516, %dma_start3A_517] : memref<192x325x152xf32, #tpu.memory_space<hbm>> -> memref<1x325x152xf32, #tpu.memory_space<hbm>>
      tpu.enqueue_dma source(%dma_start3A_518 : memref<1x325x152xf32, #tpu.memory_space<hbm>>) target(%dma_start3A_515 : memref<1x325x152xf32, #tpu.memory_space<hbm>>) target_semaphore(%arg7 : memref<!tpu.dma_semaphore, #tpu.memory_space<semaphore_mem>>)
      %get3A_519 = arith.constant 27 : i32
      %get3A_520 = arith.index_cast %get3A_519 : i32 to index
      %get3A_521 = memref.load %arg4[%get3A_520] : memref<64xi32, #tpu.memory_space<smem>>
      %mul3A_522 = arith.constant 12 : i32
      %mul3A_523 = arith.muli %add3A, %mul3A_522 : i32
      %add3A_524 = arith.addi %mul3A_523, %get3A_521 : i32
      %mul3A_525 = arith.constant 36 : i32
      %mul3A_526 = arith.muli %add3A, %mul3A_525 : i32
      %add3A_527 = arith.constant 27 : i32
      %add3A_528 = arith.addi %mul3A_526, %add3A_527 : i32
      %dma_start3A_529 = arith.constant 0 : i32
      %dma_start3A_530 = arith.constant 0 : i32
      %dma_start3A_531 = tpu.memref_slice %arg3[%add3A_528, %dma_start3A_529, %dma_start3A_530] : memref<576x325x152xf32, #tpu.memory_space<hbm>> -> memref<1x325x152xf32, #tpu.memory_space<hbm>>
      %dma_start3A_532 = arith.constant 0 : i32
      %dma_start3A_533 = arith.constant 0 : i32
      %dma_start3A_534 = tpu.memref_slice %arg1[%add3A_524, %dma_start3A_532, %dma_start3A_533] : memref<192x325x152xf32, #tpu.memory_space<hbm>> -> memref<1x325x152xf32, #tpu.memory_space<hbm>>
      tpu.enqueue_dma source(%dma_start3A_534 : memref<1x325x152xf32, #tpu.memory_space<hbm>>) target(%dma_start3A_531 : memref<1x325x152xf32, #tpu.memory_space<hbm>>) target_semaphore(%arg7 : memref<!tpu.dma_semaphore, #tpu.memory_space<semaphore_mem>>)
      %get3A_535 = arith.constant 28 : i32
      %get3A_536 = arith.index_cast %get3A_535 : i32 to index
      %get3A_537 = memref.load %arg4[%get3A_536] : memref<64xi32, #tpu.memory_space<smem>>
      %mul3A_538 = arith.constant 12 : i32
      %mul3A_539 = arith.muli %add3A, %mul3A_538 : i32
      %add3A_540 = arith.addi %mul3A_539, %get3A_537 : i32
      %mul3A_541 = arith.constant 36 : i32
      %mul3A_542 = arith.muli %add3A, %mul3A_541 : i32
      %add3A_543 = arith.constant 28 : i32
      %add3A_544 = arith.addi %mul3A_542, %add3A_543 : i32
      %dma_start3A_545 = arith.constant 0 : i32
      %dma_start3A_546 = arith.constant 0 : i32
      %dma_start3A_547 = tpu.memref_slice %arg3[%add3A_544, %dma_start3A_545, %dma_start3A_546] : memref<576x325x152xf32, #tpu.memory_space<hbm>> -> memref<1x325x152xf32, #tpu.memory_space<hbm>>
      %dma_start3A_548 = arith.constant 0 : i32
      %dma_start3A_549 = arith.constant 0 : i32
      %dma_start3A_550 = tpu.memref_slice %arg1[%add3A_540, %dma_start3A_548, %dma_start3A_549] : memref<192x325x152xf32, #tpu.memory_space<hbm>> -> memref<1x325x152xf32, #tpu.memory_space<hbm>>
      tpu.enqueue_dma source(%dma_start3A_550 : memref<1x325x152xf32, #tpu.memory_space<hbm>>) target(%dma_start3A_547 : memref<1x325x152xf32, #tpu.memory_space<hbm>>) target_semaphore(%arg7 : memref<!tpu.dma_semaphore, #tpu.memory_space<semaphore_mem>>)
      %get3A_551 = arith.constant 29 : i32
      %get3A_552 = arith.index_cast %get3A_551 : i32 to index
      %get3A_553 = memref.load %arg4[%get3A_552] : memref<64xi32, #tpu.memory_space<smem>>
      %mul3A_554 = arith.constant 12 : i32
      %mul3A_555 = arith.muli %add3A, %mul3A_554 : i32
      %add3A_556 = arith.addi %mul3A_555, %get3A_553 : i32
      %mul3A_557 = arith.constant 36 : i32
      %mul3A_558 = arith.muli %add3A, %mul3A_557 : i32
      %add3A_559 = arith.constant 29 : i32
      %add3A_560 = arith.addi %mul3A_558, %add3A_559 : i32
      %dma_start3A_561 = arith.constant 0 : i32
      %dma_start3A_562 = arith.constant 0 : i32
      %dma_start3A_563 = tpu.memref_slice %arg3[%add3A_560, %dma_start3A_561, %dma_start3A_562] : memref<576x325x152xf32, #tpu.memory_space<hbm>> -> memref<1x325x152xf32, #tpu.memory_space<hbm>>
      %dma_start3A_564 = arith.constant 0 : i32
      %dma_start3A_565 = arith.constant 0 : i32
      %dma_start3A_566 = tpu.memref_slice %arg1[%add3A_556, %dma_start3A_564, %dma_start3A_565] : memref<192x325x152xf32, #tpu.memory_space<hbm>> -> memref<1x325x152xf32, #tpu.memory_space<hbm>>
      tpu.enqueue_dma source(%dma_start3A_566 : memref<1x325x152xf32, #tpu.memory_space<hbm>>) target(%dma_start3A_563 : memref<1x325x152xf32, #tpu.memory_space<hbm>>) target_semaphore(%arg7 : memref<!tpu.dma_semaphore, #tpu.memory_space<semaphore_mem>>)
      %get3A_567 = arith.constant 30 : i32
      %get3A_568 = arith.index_cast %get3A_567 : i32 to index
      %get3A_569 = memref.load %arg4[%get3A_568] : memref<64xi32, #tpu.memory_space<smem>>
      %mul3A_570 = arith.constant 12 : i32
      %mul3A_571 = arith.muli %add3A, %mul3A_570 : i32
      %add3A_572 = arith.addi %mul3A_571, %get3A_569 : i32
      %mul3A_573 = arith.constant 36 : i32
      %mul3A_574 = arith.muli %add3A, %mul3A_573 : i32
      %add3A_575 = arith.constant 30 : i32
      %add3A_576 = arith.addi %mul3A_574, %add3A_575 : i32
      %dma_start3A_577 = arith.constant 0 : i32
      %dma_start3A_578 = arith.constant 0 : i32
      %dma_start3A_579 = tpu.memref_slice %arg3[%add3A_576, %dma_start3A_577, %dma_start3A_578] : memref<576x325x152xf32, #tpu.memory_space<hbm>> -> memref<1x325x152xf32, #tpu.memory_space<hbm>>
      %dma_start3A_580 = arith.constant 0 : i32
      %dma_start3A_581 = arith.constant 0 : i32
      %dma_start3A_582 = tpu.memref_slice %arg1[%add3A_572, %dma_start3A_580, %dma_start3A_581] : memref<192x325x152xf32, #tpu.memory_space<hbm>> -> memref<1x325x152xf32, #tpu.memory_space<hbm>>
      tpu.enqueue_dma source(%dma_start3A_582 : memref<1x325x152xf32, #tpu.memory_space<hbm>>) target(%dma_start3A_579 : memref<1x325x152xf32, #tpu.memory_space<hbm>>) target_semaphore(%arg7 : memref<!tpu.dma_semaphore, #tpu.memory_space<semaphore_mem>>)
      %get3A_583 = arith.constant 31 : i32
      %get3A_584 = arith.index_cast %get3A_583 : i32 to index
      %get3A_585 = memref.load %arg4[%get3A_584] : memref<64xi32, #tpu.memory_space<smem>>
      %mul3A_586 = arith.constant 12 : i32
      %mul3A_587 = arith.muli %add3A, %mul3A_586 : i32
      %add3A_588 = arith.addi %mul3A_587, %get3A_585 : i32
      %mul3A_589 = arith.constant 36 : i32
      %mul3A_590 = arith.muli %add3A, %mul3A_589 : i32
      %add3A_591 = arith.constant 31 : i32
      %add3A_592 = arith.addi %mul3A_590, %add3A_591 : i32
      %dma_start3A_593 = arith.constant 0 : i32
      %dma_start3A_594 = arith.constant 0 : i32
      %dma_start3A_595 = tpu.memref_slice %arg3[%add3A_592, %dma_start3A_593, %dma_start3A_594] : memref<576x325x152xf32, #tpu.memory_space<hbm>> -> memref<1x325x152xf32, #tpu.memory_space<hbm>>
      %dma_start3A_596 = arith.constant 0 : i32
      %dma_start3A_597 = arith.constant 0 : i32
      %dma_start3A_598 = tpu.memref_slice %arg1[%add3A_588, %dma_start3A_596, %dma_start3A_597] : memref<192x325x152xf32, #tpu.memory_space<hbm>> -> memref<1x325x152xf32, #tpu.memory_space<hbm>>
      tpu.enqueue_dma source(%dma_start3A_598 : memref<1x325x152xf32, #tpu.memory_space<hbm>>) target(%dma_start3A_595 : memref<1x325x152xf32, #tpu.memory_space<hbm>>) target_semaphore(%arg7 : memref<!tpu.dma_semaphore, #tpu.memory_space<semaphore_mem>>)
      %get3A_599 = arith.constant 32 : i32
      %get3A_600 = arith.index_cast %get3A_599 : i32 to index
      %get3A_601 = memref.load %arg4[%get3A_600] : memref<64xi32, #tpu.memory_space<smem>>
      %mul3A_602 = arith.constant 12 : i32
      %mul3A_603 = arith.muli %add3A, %mul3A_602 : i32
      %add3A_604 = arith.addi %mul3A_603, %get3A_601 : i32
      %mul3A_605 = arith.constant 36 : i32
      %mul3A_606 = arith.muli %add3A, %mul3A_605 : i32
      %add3A_607 = arith.constant 32 : i32
      %add3A_608 = arith.addi %mul3A_606, %add3A_607 : i32
      %dma_start3A_609 = arith.constant 0 : i32
      %dma_start3A_610 = arith.constant 0 : i32
      %dma_start3A_611 = tpu.memref_slice %arg3[%add3A_608, %dma_start3A_609, %dma_start3A_610] : memref<576x325x152xf32, #tpu.memory_space<hbm>> -> memref<1x325x152xf32, #tpu.memory_space<hbm>>
      %dma_start3A_612 = arith.constant 0 : i32
      %dma_start3A_613 = arith.constant 0 : i32
      %dma_start3A_614 = tpu.memref_slice %arg1[%add3A_604, %dma_start3A_612, %dma_start3A_613] : memref<192x325x152xf32, #tpu.memory_space<hbm>> -> memref<1x325x152xf32, #tpu.memory_space<hbm>>
      tpu.enqueue_dma source(%dma_start3A_614 : memref<1x325x152xf32, #tpu.memory_space<hbm>>) target(%dma_start3A_611 : memref<1x325x152xf32, #tpu.memory_space<hbm>>) target_semaphore(%arg7 : memref<!tpu.dma_semaphore, #tpu.memory_space<semaphore_mem>>)
      %get3A_615 = arith.constant 33 : i32
      %get3A_616 = arith.index_cast %get3A_615 : i32 to index
      %get3A_617 = memref.load %arg4[%get3A_616] : memref<64xi32, #tpu.memory_space<smem>>
      %mul3A_618 = arith.constant 12 : i32
      %mul3A_619 = arith.muli %add3A, %mul3A_618 : i32
      %add3A_620 = arith.addi %mul3A_619, %get3A_617 : i32
      %mul3A_621 = arith.constant 36 : i32
      %mul3A_622 = arith.muli %add3A, %mul3A_621 : i32
      %add3A_623 = arith.constant 33 : i32
      %add3A_624 = arith.addi %mul3A_622, %add3A_623 : i32
      %dma_start3A_625 = arith.constant 0 : i32
      %dma_start3A_626 = arith.constant 0 : i32
      %dma_start3A_627 = tpu.memref_slice %arg3[%add3A_624, %dma_start3A_625, %dma_start3A_626] : memref<576x325x152xf32, #tpu.memory_space<hbm>> -> memref<1x325x152xf32, #tpu.memory_space<hbm>>
      %dma_start3A_628 = arith.constant 0 : i32
      %dma_start3A_629 = arith.constant 0 : i32
      %dma_start3A_630 = tpu.memref_slice %arg1[%add3A_620, %dma_start3A_628, %dma_start3A_629] : memref<192x325x152xf32, #tpu.memory_space<hbm>> -> memref<1x325x152xf32, #tpu.memory_space<hbm>>
      tpu.enqueue_dma source(%dma_start3A_630 : memref<1x325x152xf32, #tpu.memory_space<hbm>>) target(%dma_start3A_627 : memref<1x325x152xf32, #tpu.memory_space<hbm>>) target_semaphore(%arg7 : memref<!tpu.dma_semaphore, #tpu.memory_space<semaphore_mem>>)
      %get3A_631 = arith.constant 34 : i32
      %get3A_632 = arith.index_cast %get3A_631 : i32 to index
      %get3A_633 = memref.load %arg4[%get3A_632] : memref<64xi32, #tpu.memory_space<smem>>
      %mul3A_634 = arith.constant 12 : i32
      %mul3A_635 = arith.muli %add3A, %mul3A_634 : i32
      %add3A_636 = arith.addi %mul3A_635, %get3A_633 : i32
      %mul3A_637 = arith.constant 36 : i32
      %mul3A_638 = arith.muli %add3A, %mul3A_637 : i32
      %add3A_639 = arith.constant 34 : i32
      %add3A_640 = arith.addi %mul3A_638, %add3A_639 : i32
      %dma_start3A_641 = arith.constant 0 : i32
      %dma_start3A_642 = arith.constant 0 : i32
      %dma_start3A_643 = tpu.memref_slice %arg3[%add3A_640, %dma_start3A_641, %dma_start3A_642] : memref<576x325x152xf32, #tpu.memory_space<hbm>> -> memref<1x325x152xf32, #tpu.memory_space<hbm>>
      %dma_start3A_644 = arith.constant 0 : i32
      %dma_start3A_645 = arith.constant 0 : i32
      %dma_start3A_646 = tpu.memref_slice %arg1[%add3A_636, %dma_start3A_644, %dma_start3A_645] : memref<192x325x152xf32, #tpu.memory_space<hbm>> -> memref<1x325x152xf32, #tpu.memory_space<hbm>>
      tpu.enqueue_dma source(%dma_start3A_646 : memref<1x325x152xf32, #tpu.memory_space<hbm>>) target(%dma_start3A_643 : memref<1x325x152xf32, #tpu.memory_space<hbm>>) target_semaphore(%arg7 : memref<!tpu.dma_semaphore, #tpu.memory_space<semaphore_mem>>)
      %get3A_647 = arith.constant 35 : i32
      %get3A_648 = arith.index_cast %get3A_647 : i32 to index
      %get3A_649 = memref.load %arg4[%get3A_648] : memref<64xi32, #tpu.memory_space<smem>>
      %mul3A_650 = arith.constant 12 : i32
      %mul3A_651 = arith.muli %add3A, %mul3A_650 : i32
      %add3A_652 = arith.addi %mul3A_651, %get3A_649 : i32
      %mul3A_653 = arith.constant 36 : i32
      %mul3A_654 = arith.muli %add3A, %mul3A_653 : i32
      %add3A_655 = arith.constant 35 : i32
      %add3A_656 = arith.addi %mul3A_654, %add3A_655 : i32
      %dma_start3A_657 = arith.constant 0 : i32
      %dma_start3A_658 = arith.constant 0 : i32
      %dma_start3A_659 = tpu.memref_slice %arg3[%add3A_656, %dma_start3A_657, %dma_start3A_658] : memref<576x325x152xf32, #tpu.memory_space<hbm>> -> memref<1x325x152xf32, #tpu.memory_space<hbm>>
      %dma_start3A_660 = arith.constant 0 : i32
      %dma_start3A_661 = arith.constant 0 : i32
      %dma_start3A_662 = tpu.memref_slice %arg1[%add3A_652, %dma_start3A_660, %dma_start3A_661] : memref<192x325x152xf32, #tpu.memory_space<hbm>> -> memref<1x325x152xf32, #tpu.memory_space<hbm>>
      tpu.enqueue_dma source(%dma_start3A_662 : memref<1x325x152xf32, #tpu.memory_space<hbm>>) target(%dma_start3A_659 : memref<1x325x152xf32, #tpu.memory_space<hbm>>) target_semaphore(%arg7 : memref<!tpu.dma_semaphore, #tpu.memory_space<semaphore_mem>>)
    }
    %scan3A_4 = arith.constant 8 : i32
    %dma_wait3A = arith.constant 0 : i32
    %dma_wait3A_5 = arith.constant 0 : i32
    %dma_wait3A_6 = arith.constant 0 : i32
    %dma_wait3A_7 = arith.constant 0 : i32
    %dma_wait3A_8 = tpu.memref_slice %arg5[%dma_wait3A, %dma_wait3A_5, %dma_wait3A_6, %dma_wait3A_7] : memref<2x12x325x152xf32, #tpu.memory_space<vmem_shared>> -> memref<1x12x325x152xf32, #tpu.memory_space<vmem_shared>>
    %dma_wait3A_9 = tpu.memref_squeeze %dma_wait3A_8 : memref<1x12x325x152xf32, #tpu.memory_space<vmem_shared>> -> memref<12x325x152xf32, #tpu.memory_space<vmem_shared>>
    %dma_wait3A_10 = arith.constant 0 : i32
    %dma_wait3A_11 = arith.constant 0 : i32
    %dma_wait3A_12 = arith.constant 0 : i32
    %dma_wait3A_13 = tpu.memref_slice %arg1[%dma_wait3A_10, %dma_wait3A_11, %dma_wait3A_12] : memref<192x325x152xf32, #tpu.memory_space<hbm>> -> memref<12x325x152xf32, #tpu.memory_space<hbm>>
    tpu.wait_dma2 semaphore(%arg7 : memref<!tpu.dma_semaphore, #tpu.memory_space<semaphore_mem>>) src(%dma_wait3A_13 : memref<12x325x152xf32, #tpu.memory_space<hbm>>) dst(%dma_wait3A_9 : memref<12x325x152xf32, #tpu.memory_space<vmem_shared>>)
    %dma_wait3A_14 = arith.constant 0 : i32
    %dma_wait3A_15 = arith.constant 0 : i32
    %dma_wait3A_16 = arith.constant 0 : i32
    %dma_wait3A_17 = arith.constant 0 : i32
    %dma_wait3A_18 = tpu.memref_slice %arg5[%dma_wait3A_14, %dma_wait3A_15, %dma_wait3A_16, %dma_wait3A_17] : memref<2x12x325x152xf32, #tpu.memory_space<vmem_shared>> -> memref<1x12x325x152xf32, #tpu.memory_space<vmem_shared>>
    %dma_wait3A_19 = tpu.memref_squeeze %dma_wait3A_18 : memref<1x12x325x152xf32, #tpu.memory_space<vmem_shared>> -> memref<12x325x152xf32, #tpu.memory_space<vmem_shared>>
    %dma_wait3A_20 = arith.constant 0 : i32
    %dma_wait3A_21 = arith.constant 0 : i32
    %dma_wait3A_22 = arith.constant 0 : i32
    %dma_wait3A_23 = tpu.memref_slice %arg1[%dma_wait3A_20, %dma_wait3A_21, %dma_wait3A_22] : memref<192x325x152xf32, #tpu.memory_space<hbm>> -> memref<12x325x152xf32, #tpu.memory_space<hbm>>
    tpu.wait_dma2 semaphore(%arg7 : memref<!tpu.dma_semaphore, #tpu.memory_space<semaphore_mem>>) src(%dma_wait3A_23 : memref<12x325x152xf32, #tpu.memory_space<hbm>>) dst(%dma_wait3A_19 : memref<12x325x152xf32, #tpu.memory_space<vmem_shared>>)
    %dma_wait3A_24 = arith.constant 0 : i32
    %dma_wait3A_25 = arith.constant 0 : i32
    %dma_wait3A_26 = arith.constant 0 : i32
    %dma_wait3A_27 = arith.constant 0 : i32
    %dma_wait3A_28 = tpu.memref_slice %arg5[%dma_wait3A_24, %dma_wait3A_25, %dma_wait3A_26, %dma_wait3A_27] : memref<2x12x325x152xf32, #tpu.memory_space<vmem_shared>> -> memref<1x12x325x152xf32, #tpu.memory_space<vmem_shared>>
    %dma_wait3A_29 = tpu.memref_squeeze %dma_wait3A_28 : memref<1x12x325x152xf32, #tpu.memory_space<vmem_shared>> -> memref<12x325x152xf32, #tpu.memory_space<vmem_shared>>
    %dma_wait3A_30 = arith.constant 0 : i32
    %dma_wait3A_31 = arith.constant 0 : i32
    %dma_wait3A_32 = arith.constant 0 : i32
    %dma_wait3A_33 = tpu.memref_slice %arg1[%dma_wait3A_30, %dma_wait3A_31, %dma_wait3A_32] : memref<192x325x152xf32, #tpu.memory_space<hbm>> -> memref<12x325x152xf32, #tpu.memory_space<hbm>>
    tpu.wait_dma2 semaphore(%arg7 : memref<!tpu.dma_semaphore, #tpu.memory_space<semaphore_mem>>) src(%dma_wait3A_33 : memref<12x325x152xf32, #tpu.memory_space<hbm>>) dst(%dma_wait3A_29 : memref<12x325x152xf32, #tpu.memory_space<vmem_shared>>)
    %dma_wait3A_34 = arith.constant 0 : i32
    %dma_wait3A_35 = arith.constant 0 : i32
    %dma_wait3A_36 = arith.constant 0 : i32
    %dma_wait3A_37 = arith.constant 0 : i32
    %dma_wait3A_38 = tpu.memref_slice %arg5[%dma_wait3A_34, %dma_wait3A_35, %dma_wait3A_36, %dma_wait3A_37] : memref<2x12x325x152xf32, #tpu.memory_space<vmem_shared>> -> memref<1x12x325x152xf32, #tpu.memory_space<vmem_shared>>
    %dma_wait3A_39 = tpu.memref_squeeze %dma_wait3A_38 : memref<1x12x325x152xf32, #tpu.memory_space<vmem_shared>> -> memref<12x325x152xf32, #tpu.memory_space<vmem_shared>>
    %dma_wait3A_40 = arith.constant 0 : i32
    %dma_wait3A_41 = arith.constant 0 : i32
    %dma_wait3A_42 = arith.constant 0 : i32
    %dma_wait3A_43 = tpu.memref_slice %arg1[%dma_wait3A_40, %dma_wait3A_41, %dma_wait3A_42] : memref<192x325x152xf32, #tpu.memory_space<hbm>> -> memref<12x325x152xf32, #tpu.memory_space<hbm>>
    tpu.wait_dma2 semaphore(%arg7 : memref<!tpu.dma_semaphore, #tpu.memory_space<semaphore_mem>>) src(%dma_wait3A_43 : memref<12x325x152xf32, #tpu.memory_space<hbm>>) dst(%dma_wait3A_39 : memref<12x325x152xf32, #tpu.memory_space<vmem_shared>>)
    %dma_wait3A_44 = arith.constant 0 : i32
    %dma_wait3A_45 = arith.constant 0 : i32
    %dma_wait3A_46 = arith.constant 0 : i32
    %dma_wait3A_47 = arith.constant 0 : i32
    %dma_wait3A_48 = tpu.memref_slice %arg5[%dma_wait3A_44, %dma_wait3A_45, %dma_wait3A_46, %dma_wait3A_47] : memref<2x12x325x152xf32, #tpu.memory_space<vmem_shared>> -> memref<1x12x325x152xf32, #tpu.memory_space<vmem_shared>>
    %dma_wait3A_49 = tpu.memref_squeeze %dma_wait3A_48 : memref<1x12x325x152xf32, #tpu.memory_space<vmem_shared>> -> memref<12x325x152xf32, #tpu.memory_space<vmem_shared>>
    %dma_wait3A_50 = arith.constant 0 : i32
    %dma_wait3A_51 = arith.constant 0 : i32
    %dma_wait3A_52 = arith.constant 0 : i32
    %dma_wait3A_53 = tpu.memref_slice %arg1[%dma_wait3A_50, %dma_wait3A_51, %dma_wait3A_52] : memref<192x325x152xf32, #tpu.memory_space<hbm>> -> memref<12x325x152xf32, #tpu.memory_space<hbm>>
    tpu.wait_dma2 semaphore(%arg7 : memref<!tpu.dma_semaphore, #tpu.memory_space<semaphore_mem>>) src(%dma_wait3A_53 : memref<12x325x152xf32, #tpu.memory_space<hbm>>) dst(%dma_wait3A_49 : memref<12x325x152xf32, #tpu.memory_space<vmem_shared>>)
    %dma_wait3A_54 = arith.constant 0 : i32
    %dma_wait3A_55 = arith.constant 0 : i32
    %dma_wait3A_56 = arith.constant 0 : i32
    %dma_wait3A_57 = arith.constant 0 : i32
    %dma_wait3A_58 = tpu.memref_slice %arg5[%dma_wait3A_54, %dma_wait3A_55, %dma_wait3A_56, %dma_wait3A_57] : memref<2x12x325x152xf32, #tpu.memory_space<vmem_shared>> -> memref<1x12x325x152xf32, #tpu.memory_space<vmem_shared>>
    %dma_wait3A_59 = tpu.memref_squeeze %dma_wait3A_58 : memref<1x12x325x152xf32, #tpu.memory_space<vmem_shared>> -> memref<12x325x152xf32, #tpu.memory_space<vmem_shared>>
    %dma_wait3A_60 = arith.constant 0 : i32
    %dma_wait3A_61 = arith.constant 0 : i32
    %dma_wait3A_62 = arith.constant 0 : i32
    %dma_wait3A_63 = tpu.memref_slice %arg1[%dma_wait3A_60, %dma_wait3A_61, %dma_wait3A_62] : memref<192x325x152xf32, #tpu.memory_space<hbm>> -> memref<12x325x152xf32, #tpu.memory_space<hbm>>
    tpu.wait_dma2 semaphore(%arg7 : memref<!tpu.dma_semaphore, #tpu.memory_space<semaphore_mem>>) src(%dma_wait3A_63 : memref<12x325x152xf32, #tpu.memory_space<hbm>>) dst(%dma_wait3A_59 : memref<12x325x152xf32, #tpu.memory_space<vmem_shared>>)
    return
  }
}

module attributes {stable_mosaic.version = 14 : i64} {
  func.func @_wsum_body(%arg0: i32, %arg1: memref<3800x256xf32, #tpu.memory_space<vmem>>, %arg2: memref<3800x256xf32, #tpu.memory_space<vmem>>, %arg3: memref<3800x2xf32, #tpu.memory_space<vmem>>) attributes {dimension_semantics = [#tpu.dimension_semantics<arbitrary>], iteration_bounds = array<i64: 13>, scalar_prefetch = 0 : i64, scratch_operands = 0 : i64, tpu.core_type = #tpu.core_type<tc>, window_params = [{transform_indices = @transform_0, window_bounds = array<i64: 3800, 256>}, {transform_indices = @transform_1, window_bounds = array<i64: 3800, 256>}, {transform_indices = @transform_2, window_bounds = array<i64: 3800, 2>}]} {
    %get3A = arith.constant 0 : index
    %get3A_0 = arith.constant 0 : index
    %get3A_1 = vector.load %arg1[%get3A, %get3A_0] : memref<3800x256xf32, #tpu.memory_space<vmem>>, vector<3800x256xf32>
    %reduce_sum3A = arith.constant dense<0.000000e+00> : vector<3800xf32>
    %reduce_sum3A_2 = vector.multi_reduction <add>, %get3A_1, %reduce_sum3A [1] : vector<3800x256xf32> to vector<3800xf32>
    %broadcast_in_dim3A = vector.shape_cast %reduce_sum3A_2 : vector<3800xf32> to vector<3800x1xf32>
    %get3A_3 = arith.constant 0 : index
    %get3A_4 = arith.constant 0 : index
    %get3A_5 = vector.load %arg2[%get3A_3, %get3A_4] : memref<3800x256xf32, #tpu.memory_space<vmem>>, vector<3800x256xf32>
    %reduce_sum3A_6 = arith.constant dense<0.000000e+00> : vector<3800xf32>
    %reduce_sum3A_7 = vector.multi_reduction <add>, %get3A_5, %reduce_sum3A_6 [1] : vector<3800x256xf32> to vector<3800xf32>
    %broadcast_in_dim3A_8 = vector.shape_cast %reduce_sum3A_7 : vector<3800xf32> to vector<3800x1xf32>
    %concatenate3A = tpu.concatenate %broadcast_in_dim3A, %broadcast_in_dim3A_8 in 1 : vector<3800x1xf32>, vector<3800x1xf32> -> vector<3800x2xf32>
    %swap3A = arith.constant 0 : index
    %swap3A_9 = arith.constant 0 : index
    %swap3A_10 = vector.load %arg3[%swap3A, %swap3A_9] : memref<3800x2xf32, #tpu.memory_space<vmem>>, vector<3800x2xf32>
    tpu.vector_store %arg3[%swap3A, %swap3A_9], %concatenate3A {strides = array<i32>} : memref<3800x2xf32, #tpu.memory_space<vmem>>, vector<3800x2xf32>,
    return
  }
  func.func @transform_0(%arg0: i32) -> (i32, i32) {
    %c0_i32 = arith.constant 0 : i32
    %c0_i32_0 = arith.constant 0 : i32
    return %arg0, %c0_i32 : i32, i32
  }
  func.func @transform_1(%arg0: i32) -> (i32, i32) {
    %c0_i32 = arith.constant 0 : i32
    %c0_i32_0 = arith.constant 0 : i32
    return %arg0, %c0_i32 : i32, i32
  }
  func.func @transform_2(%arg0: i32) -> (i32, i32) {
    %c0_i32 = arith.constant 0 : i32
    %c0_i32_0 = arith.constant 0 : i32
    return %arg0, %c0_i32 : i32, i32
  }
}

module attributes {stable_mosaic.version = 14 : i64} {
  func.func @_sq_body(%arg0: i32, %arg1: memref<1x12x325x152xf32, #tpu.memory_space<vmem>>, %arg2: memref<325x152xf32, #tpu.memory_space<vmem>>, %arg3: memref<325x152xf32, #tpu.memory_space<vmem>>, %arg4: memref<1x12x128xf32, #tpu.memory_space<vmem>>, %arg5: memref<1x12x128xf32, #tpu.memory_space<vmem>>) attributes {dimension_semantics = [#tpu.dimension_semantics<arbitrary>], iteration_bounds = array<i64: 16>, scalar_prefetch = 0 : i64, scratch_operands = 0 : i64, tpu.core_type = #tpu.core_type<tc>, window_params = [{transform_indices = @transform_0, window_bounds = array<i64: 1, 12, 325, 152>}, {pipeline_mode = #tpu.pipeline_mode<synchronous>, transform_indices = @transform_1, window_bounds = array<i64: 325, 152>}, {pipeline_mode = #tpu.pipeline_mode<synchronous>, transform_indices = @transform_2, window_bounds = array<i64: 325, 152>}, {transform_indices = @transform_3, window_bounds = array<i64: 1, 12, 128>}, {transform_indices = @transform_4, window_bounds = array<i64: 1, 12, 128>}]} {
    %get3A = arith.constant 0 : index
    %get3A_0 = arith.constant 0 : index
    %get3A_1 = arith.constant 0 : index
    %get3A_2 = arith.constant 0 : index
    %get3A_3 = vector.load %arg1[%get3A, %get3A_0, %get3A_1, %get3A_2] : memref<1x12x325x152xf32, #tpu.memory_space<vmem>>, vector<1x12x325x152xf32>
    %get3A_4 = vector.shape_cast %get3A_3 : vector<1x12x325x152xf32> to vector<12x325x152xf32>
    %get3A_5 = arith.constant 0 : index
    %get3A_6 = arith.constant 0 : index
    %get3A_7 = vector.load %arg2[%get3A_5, %get3A_6] : memref<325x152xf32, #tpu.memory_space<vmem>>, vector<325x152xf32>
    %broadcast_in_dim3A = vector.shape_cast %get3A_7 : vector<325x152xf32> to vector<1x325x152xf32>
    %get3A_8 = arith.constant 0 : index
    %get3A_9 = arith.constant 0 : index
    %get3A_10 = vector.load %arg3[%get3A_8, %get3A_9] : memref<325x152xf32, #tpu.memory_space<vmem>>, vector<325x152xf32>
    %broadcast_in_dim3A_11 = vector.shape_cast %get3A_10 : vector<325x152xf32> to vector<1x325x152xf32>
    %mul3A = vector.broadcast %broadcast_in_dim3A : vector<1x325x152xf32> to vector<12x325x152xf32>
    %mul3A_12 = arith.mulf %get3A_4, %mul3A : vector<12x325x152xf32>
    %reduce_sum3A = arith.constant dense<0.000000e+00> : vector<12x325xf32>
    %reduce_sum3A_13 = vector.multi_reduction <add>, %mul3A_12, %reduce_sum3A [2] : vector<12x325x152xf32> to vector<12x325xf32>
    %broadcast_in_dim3A_14 = vector.shape_cast %reduce_sum3A_13 : vector<12x325xf32> to vector<12x325x1xf32>
    %reduce_sum3A_15 = arith.constant dense<0.000000e+00> : vector<12x1xf32>
    %reduce_sum3A_16 = vector.multi_reduction <add>, %broadcast_in_dim3A_14, %reduce_sum3A_15 [1] : vector<12x325x1xf32> to vector<12x1xf32>
    %mul3A_17 = vector.broadcast %broadcast_in_dim3A_11 : vector<1x325x152xf32> to vector<12x325x152xf32>
    %mul3A_18 = arith.mulf %get3A_4, %mul3A_17 : vector<12x325x152xf32>
    %reduce_sum3A_19 = arith.constant dense<0.000000e+00> : vector<12x325xf32>
    %reduce_sum3A_20 = vector.multi_reduction <add>, %mul3A_18, %reduce_sum3A_19 [2] : vector<12x325x152xf32> to vector<12x325xf32>
    %broadcast_in_dim3A_21 = vector.shape_cast %reduce_sum3A_20 : vector<12x325xf32> to vector<12x325x1xf32>
    %reduce_sum3A_22 = arith.constant dense<0.000000e+00> : vector<12x1xf32>
    %reduce_sum3A_23 = vector.multi_reduction <add>, %broadcast_in_dim3A_21, %reduce_sum3A_22 [1] : vector<12x325x1xf32> to vector<12x1xf32>
    %broadcast_in_dim3A_24 = vector.shape_cast %reduce_sum3A_16 : vector<12x1xf32> to vector<12x1xf32>
    %broadcast_in_dim3A_25 = vector.broadcast %broadcast_in_dim3A_24 : vector<12x1xf32> to vector<12x128xf32>
    %swap3A = arith.constant 0 : index
    %swap3A_26 = arith.constant 0 : index
    %swap3A_27 = arith.constant 0 : index
    %swap3A_28 = vector.load %arg4[%swap3A, %swap3A_26, %swap3A_27] : memref<1x12x128xf32, #tpu.memory_space<vmem>>, vector<1x12x128xf32>
    %swap3A_29 = vector.shape_cast %swap3A_28 : vector<1x12x128xf32> to vector<12x128xf32>
    %swap3A_30 = vector.shape_cast %broadcast_in_dim3A_25 : vector<12x128xf32> to vector<1x12x128xf32>
    tpu.vector_store %arg4[%swap3A, %swap3A_26, %swap3A_27], %swap3A_30 {strides = array<i32>} : memref<1x12x128xf32, #tpu.memory_space<vmem>>, vector<1x12x128xf32>,
    %broadcast_in_dim3A_31 = vector.shape_cast %reduce_sum3A_23 : vector<12x1xf32> to vector<12x1xf32>
    %broadcast_in_dim3A_32 = vector.broadcast %broadcast_in_dim3A_31 : vector<12x1xf32> to vector<12x128xf32>
    %swap3A_33 = arith.constant 0 : index
    %swap3A_34 = arith.constant 0 : index
    %swap3A_35 = arith.constant 0 : index
    %swap3A_36 = vector.load %arg5[%swap3A_33, %swap3A_34, %swap3A_35] : memref<1x12x128xf32, #tpu.memory_space<vmem>>, vector<1x12x128xf32>
    %swap3A_37 = vector.shape_cast %swap3A_36 : vector<1x12x128xf32> to vector<12x128xf32>
    %swap3A_38 = vector.shape_cast %broadcast_in_dim3A_32 : vector<12x128xf32> to vector<1x12x128xf32>
    tpu.vector_store %arg5[%swap3A_33, %swap3A_34, %swap3A_35], %swap3A_38 {strides = array<i32>} : memref<1x12x128xf32, #tpu.memory_space<vmem>>, vector<1x12x128xf32>,
    return
  }
  func.func @transform_0(%arg0: i32) -> (i32, i32, i32, i32) {
    %c0_i32 = arith.constant 0 : i32
    %c0_i32_0 = arith.constant 0 : i32
    %c0_i32_1 = arith.constant 0 : i32
    %c0_i32_2 = arith.constant 0 : i32
    return %arg0, %c0_i32, %c0_i32_0, %c0_i32_1 : i32, i32, i32, i32
  }
  func.func @transform_1(%arg0: i32) -> (i32, i32) {
    %c0_i32 = arith.constant 0 : i32
    %c0_i32_0 = arith.constant 0 : i32
    %c0_i32_1 = arith.constant 0 : i32
    return %c0_i32, %c0_i32_0 : i32, i32
  }
  func.func @transform_2(%arg0: i32) -> (i32, i32) {
    %c0_i32 = arith.constant 0 : i32
    %c0_i32_0 = arith.constant 0 : i32
    %c0_i32_1 = arith.constant 0 : i32
    return %c0_i32, %c0_i32_0 : i32, i32
  }
  func.func @transform_3(%arg0: i32) -> (i32, i32, i32) {
    %c0_i32 = arith.constant 0 : i32
    %c0_i32_0 = arith.constant 0 : i32
    %c0_i32_1 = arith.constant 0 : i32
    return %arg0, %c0_i32, %c0_i32_0 : i32, i32, i32
  }
  func.func @transform_4(%arg0: i32) -> (i32, i32, i32) {
    %c0_i32 = arith.constant 0 : i32
    %c0_i32_0 = arith.constant 0 : i32
    %c0_i32_1 = arith.constant 0 : i32
    return %arg0, %c0_i32, %c0_i32_0 : i32, i32, i32
  }
}

module attributes {stable_mosaic.version = 14 : i64} {
  func.func @_corr_body(%arg0: memref<16x12xf32, #tpu.memory_space<vmem>>, %arg1: memref<16x12xf32, #tpu.memory_space<vmem>>, %arg2: memref<1x256xf32, #tpu.memory_space<vmem>>, %arg3: memref<1x256xf32, #tpu.memory_space<vmem>>, %arg4: memref<12x3xf32, #tpu.memory_space<vmem>>, %arg5: memref<12x3xi32, #tpu.memory_space<vmem>>) attributes {dimension_semantics = [], scalar_prefetch = 0 : i64, scratch_operands = 0 : i64, tpu.core_type = #tpu.core_type<tc>} {
    %get3A = arith.constant 0 : index
    %get3A_0 = arith.constant 0 : index
    %get3A_1 = vector.load %arg0[%get3A, %get3A_0] : memref<16x12xf32, #tpu.memory_space<vmem>>, vector<16x12xf32>
    %get3A_2 = arith.constant 0 : index
    %get3A_3 = arith.constant 0 : index
    %get3A_4 = vector.load %arg2[%get3A_2, %get3A_3] : memref<1x256xf32, #tpu.memory_space<vmem>>, vector<1x256xf32>
    %reduce_sum3A = vector.shape_cast %get3A_4 : vector<1x256xf32> to vector<1x1x256xf32>
    %reduce_sum3A_5 = arith.constant dense<0.000000e+00> : vector<1xf32>
    %reduce_sum3A_6 = vector.multi_reduction <add>, %reduce_sum3A, %reduce_sum3A_5 [1, 2] : vector<1x1x256xf32> to vector<1xf32>
    %reduce_sum3A_7 = vector.shape_cast %reduce_sum3A_6 : vector<1xf32> to vector<1x1x1xf32>
    %reduce_sum3A_8 = vector.extract %reduce_sum3A_7[0, 0, 0] : f32 from vector<1x1x1xf32>
    %add3A = vector.broadcast %reduce_sum3A_8 : f32 to vector<16x12xf32>
    %add3A_9 = arith.addf %get3A_1, %add3A : vector<16x12xf32>
    %get3A_10 = arith.constant 0 : index
    %get3A_11 = arith.constant 0 : index
    %get3A_12 = vector.load %arg1[%get3A_10, %get3A_11] : memref<16x12xf32, #tpu.memory_space<vmem>>, vector<16x12xf32>
    %get3A_13 = arith.constant 0 : index
    %get3A_14 = arith.constant 0 : index
    %get3A_15 = vector.load %arg3[%get3A_13, %get3A_14] : memref<1x256xf32, #tpu.memory_space<vmem>>, vector<1x256xf32>
    %reduce_sum3A_16 = vector.shape_cast %get3A_15 : vector<1x256xf32> to vector<1x1x256xf32>
    %reduce_sum3A_17 = arith.constant dense<0.000000e+00> : vector<1xf32>
    %reduce_sum3A_18 = vector.multi_reduction <add>, %reduce_sum3A_16, %reduce_sum3A_17 [1, 2] : vector<1x1x256xf32> to vector<1xf32>
    %reduce_sum3A_19 = vector.shape_cast %reduce_sum3A_18 : vector<1xf32> to vector<1x1x1xf32>
    %reduce_sum3A_20 = vector.extract %reduce_sum3A_19[0, 0, 0] : f32 from vector<1x1x1xf32>
    %add3A_21 = vector.broadcast %reduce_sum3A_20 : f32 to vector<16x12xf32>
    %add3A_22 = arith.addf %get3A_12, %add3A_21 : vector<16x12xf32>
    %dot_general3A = arith.constant dense<0.000000e+00> : vector<12x12xf32>
    %dot_general3A_23 = tpu.matmul %add3A_9, %add3A_22, %dot_general3A {dimension_numbers = #tpu.dot_dimension_numbers<[0], [0], [1], [1], [0, 1, 1, 1], [], []>, transpose_lhs_hint = false} : vector<16x12xf32>, vector<16x12xf32>, vector<12x12xf32> -> vector<12x12xf32>
    %mul3A = arith.constant 4.84496122E-4 : f32
    %mul3A_24 = vector.broadcast %mul3A : f32 to vector<12x12xf32>
    %mul3A_25 = arith.mulf %dot_general3A_23, %mul3A_24 : vector<12x12xf32>
    %iota3A = tpu.iota {dimensions = array<i32: 0>} : vector<12x12xi32>
    %iota3A_26 = tpu.iota {dimensions = array<i32: 1>} : vector<12x12xi32>
    %eq3A = arith.cmpi eq, %iota3A, %iota3A_26 : vector<12x12xi32>
    %jit3A = arith.constant 0xFF800000 : f32
    %broadcast_in_dim3A = vector.broadcast %jit3A : f32 to vector<12x12xf32>
    %select_n3A = arith.select %eq3A, %broadcast_in_dim3A, %mul3A_25 : vector<12x12xi1>, vector<12x12xf32>
    %reduce_max3A = arith.constant dense<0xFF800000> : vector<12xf32>
    %reduce_max3A_27 = vector.multi_reduction <maximumf>, %select_n3A, %reduce_max3A [1] : vector<12x12xf32> to vector<12xf32>
    %broadcast_in_dim3A_28 = vector.shape_cast %reduce_max3A_27 : vector<12xf32> to vector<12x1xf32>
    %eq3A_29 = vector.broadcast %broadcast_in_dim3A_28 : vector<12x1xf32> to vector<12x12xf32>
    %eq3A_30 = arith.cmpf oeq, %select_n3A, %eq3A_29 : vector<12x12xf32>
    %jit3A_31 = arith.constant 12 : i32
    %broadcast_in_dim3A_32 = vector.broadcast %jit3A_31 : i32 to vector<12x12xi32>
    %select_n3A_33 = arith.select %eq3A_30, %iota3A_26, %broadcast_in_dim3A_32 : vector<12x12xi1>, vector<12x12xi32>
    %reduce_min3A = arith.constant dense<2147483647> : vector<12xi32>
    %reduce_min3A_34 = vector.multi_reduction <minsi>, %select_n3A_33, %reduce_min3A [1] : vector<12x12xi32> to vector<12xi32>
    %broadcast_in_dim3A_35 = vector.shape_cast %reduce_min3A_34 : vector<12xi32> to vector<12x1xi32>
    %eq3A_36 = vector.broadcast %broadcast_in_dim3A_35 : vector<12x1xi32> to vector<12x12xi32>
    %eq3A_37 = arith.cmpi eq, %iota3A_26, %eq3A_36 : vector<12x12xi32>
    %jit3A_38 = arith.constant 0xFF800000 : f32
    %broadcast_in_dim3A_39 = vector.broadcast %jit3A_38 : f32 to vector<12x12xf32>
    %select_n3A_40 = arith.select %eq3A_37, %broadcast_in_dim3A_39, %select_n3A : vector<12x12xi1>, vector<12x12xf32>
    %reduce_max3A_41 = arith.constant dense<0xFF800000> : vector<12xf32>
    %reduce_max3A_42 = vector.multi_reduction <maximumf>, %select_n3A_40, %reduce_max3A_41 [1] : vector<12x12xf32> to vector<12xf32>
    %broadcast_in_dim3A_43 = vector.shape_cast %reduce_max3A_42 : vector<12xf32> to vector<12x1xf32>
    %eq3A_44 = vector.broadcast %broadcast_in_dim3A_43 : vector<12x1xf32> to vector<12x12xf32>
    %eq3A_45 = arith.cmpf oeq, %select_n3A_40, %eq3A_44 : vector<12x12xf32>
    %jit3A_46 = arith.constant 12 : i32
    %broadcast_in_dim3A_47 = vector.broadcast %jit3A_46 : i32 to vector<12x12xi32>
    %select_n3A_48 = arith.select %eq3A_45, %iota3A_26, %broadcast_in_dim3A_47 : vector<12x12xi1>, vector<12x12xi32>
    %reduce_min3A_49 = arith.constant dense<2147483647> : vector<12xi32>
    %reduce_min3A_50 = vector.multi_reduction <minsi>, %select_n3A_48, %reduce_min3A_49 [1] : vector<12x12xi32> to vector<12xi32>
    %broadcast_in_dim3A_51 = vector.shape_cast %reduce_min3A_50 : vector<12xi32> to vector<12x1xi32>
    %eq3A_52 = vector.broadcast %broadcast_in_dim3A_51 : vector<12x1xi32> to vector<12x12xi32>
    %eq3A_53 = arith.cmpi eq, %iota3A_26, %eq3A_52 : vector<12x12xi32>
    %jit3A_54 = arith.constant 0xFF800000 : f32
    %broadcast_in_dim3A_55 = vector.broadcast %jit3A_54 : f32 to vector<12x12xf32>
    %select_n3A_56 = arith.select %eq3A_53, %broadcast_in_dim3A_55, %select_n3A_40 : vector<12x12xi1>, vector<12x12xf32>
    %reduce_max3A_57 = arith.constant dense<0xFF800000> : vector<12xf32>
    %reduce_max3A_58 = vector.multi_reduction <maximumf>, %select_n3A_56, %reduce_max3A_57 [1] : vector<12x12xf32> to vector<12xf32>
    %broadcast_in_dim3A_59 = vector.shape_cast %reduce_max3A_58 : vector<12xf32> to vector<12x1xf32>
    %eq3A_60 = vector.broadcast %broadcast_in_dim3A_59 : vector<12x1xf32> to vector<12x12xf32>
    %eq3A_61 = arith.cmpf oeq, %select_n3A_56, %eq3A_60 : vector<12x12xf32>
    %jit3A_62 = arith.constant 12 : i32
    %broadcast_in_dim3A_63 = vector.broadcast %jit3A_62 : i32 to vector<12x12xi32>
    %select_n3A_64 = arith.select %eq3A_61, %iota3A_26, %broadcast_in_dim3A_63 : vector<12x12xi1>, vector<12x12xi32>
    %reduce_min3A_65 = arith.constant dense<2147483647> : vector<12xi32>
    %reduce_min3A_66 = vector.multi_reduction <minsi>, %select_n3A_64, %reduce_min3A_65 [1] : vector<12x12xi32> to vector<12xi32>
    %broadcast_in_dim3A_67 = vector.shape_cast %reduce_min3A_66 : vector<12xi32> to vector<12x1xi32>
    %min3A = arith.minsi %broadcast_in_dim3A_51, %broadcast_in_dim3A_67 : vector<12x1xi32>
    %min3A_68 = arith.minsi %broadcast_in_dim3A_35, %min3A : vector<12x1xi32>
    %max3A = arith.maxsi %broadcast_in_dim3A_51, %broadcast_in_dim3A_67 : vector<12x1xi32>
    %max3A_69 = arith.maxsi %broadcast_in_dim3A_35, %max3A : vector<12x1xi32>
    %add3A_70 = arith.addi %broadcast_in_dim3A_35, %broadcast_in_dim3A_51 : vector<12x1xi32>
    %add3A_71 = arith.addi %add3A_70, %broadcast_in_dim3A_67 : vector<12x1xi32>
    %sub3A = arith.subi %add3A_71, %min3A_68 : vector<12x1xi32>
    %sub3A_72 = arith.subi %sub3A, %max3A_69 : vector<12x1xi32>
    %eq3A_73 = arith.cmpi eq, %min3A_68, %broadcast_in_dim3A_35 : vector<12x1xi32>
    %eq3A_74 = arith.cmpi eq, %min3A_68, %broadcast_in_dim3A_51 : vector<12x1xi32>
    %select_n3A_75 = arith.select %eq3A_74, %broadcast_in_dim3A_43, %broadcast_in_dim3A_59 : vector<12x1xi1>, vector<12x1xf32>
    %select_n3A_76 = arith.select %eq3A_73, %broadcast_in_dim3A_28, %select_n3A_75 : vector<12x1xi1>, vector<12x1xf32>
    %eq3A_77 = arith.cmpi eq, %sub3A_72, %broadcast_in_dim3A_35 : vector<12x1xi32>
    %eq3A_78 = arith.cmpi eq, %sub3A_72, %broadcast_in_dim3A_51 : vector<12x1xi32>
    %select_n3A_79 = arith.select %eq3A_78, %broadcast_in_dim3A_43, %broadcast_in_dim3A_59 : vector<12x1xi1>, vector<12x1xf32>
    %select_n3A_80 = arith.select %eq3A_77, %broadcast_in_dim3A_28, %select_n3A_79 : vector<12x1xi1>, vector<12x1xf32>
    %eq3A_81 = arith.cmpi eq, %max3A_69, %broadcast_in_dim3A_35 : vector<12x1xi32>
    %eq3A_82 = arith.cmpi eq, %max3A_69, %broadcast_in_dim3A_51 : vector<12x1xi32>
    %select_n3A_83 = arith.select %eq3A_82, %broadcast_in_dim3A_43, %broadcast_in_dim3A_59 : vector<12x1xi1>, vector<12x1xf32>
    %select_n3A_84 = arith.select %eq3A_81, %broadcast_in_dim3A_28, %select_n3A_83 : vector<12x1xi1>, vector<12x1xf32>
    %concatenate3A = tpu.concatenate %select_n3A_76, %select_n3A_80, %select_n3A_84 in 1 : vector<12x1xf32>, vector<12x1xf32>, vector<12x1xf32> -> vector<12x3xf32>
    %swap3A = arith.constant 0 : index
    %swap3A_85 = arith.constant 0 : index
    %swap3A_86 = vector.load %arg4[%swap3A, %swap3A_85] : memref<12x3xf32, #tpu.memory_space<vmem>>, vector<12x3xf32>
    tpu.vector_store %arg4[%swap3A, %swap3A_85], %concatenate3A {strides = array<i32>} : memref<12x3xf32, #tpu.memory_space<vmem>>, vector<12x3xf32>,
    %concatenate3A_87 = tpu.concatenate %min3A_68, %sub3A_72, %max3A_69 in 1 : vector<12x1xi32>, vector<12x1xi32>, vector<12x1xi32> -> vector<12x3xi32>
    %swap3A_88 = arith.constant 0 : index
    %swap3A_89 = arith.constant 0 : index
    %swap3A_90 = vector.load %arg5[%swap3A_88, %swap3A_89] : memref<12x3xi32, #tpu.memory_space<vmem>>, vector<12x3xi32>
    tpu.vector_store %arg5[%swap3A_88, %swap3A_89], %concatenate3A_87 {strides = array<i32>} : memref<12x3xi32, #tpu.memory_space<vmem>>, vector<12x3xi32>,
    return
  }
}

</mosaic_0001>

<sc_bundles>
// kernel: kernel.6.cloned.1.call-start
scs
__scs_entry_jumppad:
0x0: {  	(pc) =	sbr.rel $0x88, $3  }
0x1: {  	(tag) =	ssettag $0x0;
	lr =	simm.s32 $0x1  }
0x2: {  	[smem:$0x3F9C] =	sst lr;
	_ =	strace $0xD0000000  }
0x3: {  	_ = 	snop  }
0x4: {  	_ = 	snop  }
0x5: {  	_ = 	snop  }
0x6: {  	_ = 	snop  }
0x7: {  	_ = 	snop  }
__scs_overlays_trampoline_lowered:
0x8: {  	[smem:$0x3FAB] =	sst s0  }
0x9: {  	[smem:$0x3FAC] =	sst s1  }
0xa: {  	[smem:$0x3FAD] =	sst s2  }
0xb: {  	[smem:$0x3FAE] =	sst s3  }
0xc: {  	[smem:$0x3FAF] =	sst s4  }
0xd: {  	[smem:$0x3FB0] =	sst s5  }
0xe: {  	[smem:$0x3FB1] =	sst s6  }
0xf: {  	[smem:$0x3FB2] =	sst s7  }
0x10: {  	[smem:$0x3FB3] =	sst s8  }
0x11: {  	[smem:$0x3FB4] =	sst s9;
	s0 =	simm.s32 @!p0 $0x0  }
0x12: {  	s1 =	sld [smem:$0x3F9A];
	s0 =	simm.s32 @p0 $0x1  }
0x13: {  	[smem:$0x3FB5] =	sst s0;
	s0 =	simm.s32 @!p1 $0x0  }
0x14: {  	s2 =	sld [smem:$0x3F99];
	s0 =	simm.s32 @p1 $0x1  }
0x15: {  	[smem:$0x3FB6] =	sst s0;
	s0 =	simm.s32 @!p2 $0x0  }
0x16: {  	s3 =	sld [smem:$0x3FDB];
	s0 =	simm.s32 @p2 $0x1  }
0x17: {  	s4 =	simm.s32 $0x1BF5;
	[smem:$0x3FB8] =	sst s0  }
0x18: {  	s0 =	sld [smem:$0x3F9B];
	_ =	swait.ge [sflag:s4], $0x0  }
0x19: {  	s7 =	sld [smem:$0x3F9C]  }
0x1a: {  	s8 =	sadd.s32 $0xFFFFE003, lr  }
0x1b: {  	s9 =	sadd.s32 $0xFFFFFEF7, lr;
	s5 =	simm.s32 $0xFFFFFFFF;
	p2 =	slt.u32 s8, $0xFFFFF086  }
0x1c: {  	p1 =	slt.u32 s9, $0xF7A;
	s5 =	simm.s32 @!p2 $0x0  }
0x1d: {  	s5 =	simm.s32 @p1 $0x1;
	p0 =	seq.s32 s7, s2  }
0x1e: {  	s7 =	smul.u32 @!p0 $0xF7A, s2;
	p2 =	seq.s32 @!p0 s5, $0x0  }
0x1f: {  	s9 =	smul.u32 $0xF7A, s1;
	s8 =	simm.s32 @!p0 $0x1BF5;
	p2 =	por !p2, p0  }
0x20: {  	[sflag:s8] =	ssyncset.s32 @!p0 $0xFFFFF086;
	s6 =	sadd.s32 @!p0 s3, s7;
	s7 =	simm.s32 @!p0 $0x108  }
0x21: {  	s3 =	sadd.s32 s3, s9;
	s6 =	sadd.s32 @!p0 $0x88, s6;
	s7 =	simm.s32 @p2 $0x1082  }
0x22: {  	[simem:s7], [sflag:s8] =	dma.local @!p0 [hbm:s6], $0xF7A  }
0x23: {  	s9 =	sor.u32 $0xD0000000, s2;
	s6 =	simm.s32 $0x108;
	_ =	swait.ge @!p0 [sflag:s8], $0x0  }
0x24: {  	s3 =	sadd.s32 $0x88, s3;
	s6 =	simm.s32 @!p1 $0x1082;
	[sflag:s4] =	ssyncset.s32 $0xFFFFF086  }
0x25: {  	[simem:s6], [sflag:s4] =	dma.local [hbm:s3], $0xF7A  }
0x26: {  	[smem:$0x3F9C] =	sst s1;
	(tag) =	ssettag s2;
	_ =	strace s9  }
0x27: {  	s1 =	sld [smem:$0x3FAC]  }
0x28: {  	s2 =	sld [smem:$0x3FAD]  }
0x29: {  	s4 =	sld [smem:$0x3FAF]  }
0x2a: {  	p0 =	seq.s32 s5, $0x0;
	s5 =	sld [smem:$0x3FB0]  }
0x2b: {  	s6 =	sld [smem:$0x3FB1]  }
0x2c: {  	s7 =	sld [smem:$0x3FB2]  }
0x2d: {  	s3 =	simm.s32 $0x108;
	s8 =	sld [smem:$0x3FB3]  }
0x2e: {  	s3 =	simm.s32 @!p0 $0x1082;
	s9 =	sld [smem:$0x3FB4]  }
0x2f: {  	lr =	sadd.s32 s0, s3;
	s0 =	sld [smem:$0x3FAB]  }
0x30: {  	s3 =	sld [smem:$0x3FAE]  }
0x31: {  	[smem:$0x3FB7] =	sst s10  }
0x32: {  	s10 =	sld [smem:$0x3FB5];
	_ =	sdelay $0x3  }
0x33: {  	p0 =	seq.s32 s10, $0x1;
	s10 =	sld [smem:$0x3FB7];
	_ =	sdelay $0x3  }
0x34: {  	[smem:$0x3FB7] =	sst s10  }
0x35: {  	s10 =	sld [smem:$0x3FB6];
	_ =	sdelay $0x3  }
0x36: {  	p1 =	seq.s32 s10, $0x1;
	s10 =	sld [smem:$0x3FB7];
	_ =	sdelay $0x3  }
0x37: {  	[smem:$0x3FB7] =	sst s10  }
0x38: {  	s10 =	sld [smem:$0x3FB8]  }
0x39: {  	_ = 	snop;
	(pc) =	sbr.ind lr, $3  }
0x3a: {  	_ = 	snop  }
0x3b: {  	_ = 	snop  }
0x3c: {  	p2 =	seq.s32 s10, $0x1;
	s10 =	sld [smem:$0x3FB7]  }
0x3d: {  	_ =	shalt  }
0x3e: {  	_ =	shalt  }
0x3f: {  	_ =	shalt  }
0x40: {  	_ =	shalt  }
0x41: {  	_ =	shalt  }
0x42: {  	_ =	shalt  }
0x43: {  	_ =	shalt  }
0x44: {  	_ =	shalt  }
0x45: {  	_ =	shalt  }
0x46: {  	_ =	shalt  }
0x47: {  	_ =	shalt  }
0x48: {  	_ =	shalt  }
0x49: {  	_ =	shalt  }
0x4a: {  	_ =	shalt  }
0x4b: {  	_ =	shalt  }
0x4c: {  	_ =	shalt  }
0x4d: {  	_ =	shalt  }
0x4e: {  	_ =	shalt  }
0x4f: {  	_ =	shalt  }
0x50: {  	_ =	shalt  }
0x51: {  	_ =	shalt  }
0x52: {  	_ =	shalt  }
0x53: {  	_ =	shalt  }
0x54: {  	_ =	shalt  }
0x55: {  	_ =	shalt  }
0x56: {  	_ =	shalt  }
0x57: {  	_ =	shalt  }
0x58: {  	_ =	shalt  }
0x59: {  	_ =	shalt  }
0x5a: {  	_ =	shalt  }
0x5b: {  	_ =	shalt  }
0x5c: {  	_ =	shalt  }
0x5d: {  	_ =	shalt  }
0x5e: {  	_ =	shalt  }
0x5f: {  	_ =	shalt  }
0x60: {  	_ =	shalt  }
0x61: {  	_ =	shalt  }
0x62: {  	_ =	shalt  }
0x63: {  	_ =	shalt  }
0x64: {  	_ =	shalt  }
0x65: {  	_ =	shalt  }
0x66: {  	_ =	shalt  }
0x67: {  	_ =	shalt  }
0x68: {  	_ =	shalt  }
0x69: {  	_ =	shalt  }
0x6a: {  	_ =	shalt  }
0x6b: {  	_ =	shalt  }
0x6c: {  	_ =	shalt  }
0x6d: {  	_ =	shalt  }
0x6e: {  	_ =	shalt  }
0x6f: {  	_ =	shalt  }
0x70: {  	_ =	shalt  }
0x71: {  	_ =	shalt  }
0x72: {  	_ =	shalt  }
0x73: {  	_ =	shalt  }
0x74: {  	_ =	shalt  }
0x75: {  	_ =	shalt  }
0x76: {  	_ =	shalt  }
0x77: {  	_ =	shalt  }
0x78: {  	_ =	shalt  }
0x79: {  	_ =	shalt  }
0x7a: {  	_ =	shalt  }
0x7b: {  	_ =	shalt  }
0x7c: {  	_ =	shalt  }
0x7d: {  	_ =	shalt  }
0x7e: {  	_ =	shalt  }
0x7f: {  	_ =	shalt  }
0x80: {  	_ =	shalt  }
0x81: {  	_ =	shalt  }
0x82: {  	_ =	shalt  }
0x83: {  	_ =	shalt  }
0x84: {  	_ =	shalt  }
0x85: {  	_ =	shalt  }
0x86: {  	_ =	shalt  }
0x87: {  	_ =	shalt  }
.Lfunc_end0:
.L_simem_size_0:
called_computation.1_lowered:
.L_overlay_start_0:
0x88: {  	s2 =	sld [smem:$0x3FD9]  }
0x89: {  	s3 =	sld [smem:$0x3FFE];
	_ =	sdelay $0x1  }
0x8a: {  	s1 =	srdreg.scid  }
0x8b: {  	s0 =	sand.u32 $0x1, s1  }
0x8c: {  	s23 =	sshll.u32 s0, $0xA;
	s2 =	sadd.s32 s3, s2  }
0x8d: {  	s2 =	sadd.s32 s2, s23  }
0x8e: {  	[smem:$0x3FC3] =	sst s2  }
0x8f: {  	_ = 	snop  }
0x90: {  	s2 =	sld [smem:$0x3FD0];
	_ =	sdelay $0x2  }
0x91: {  	s24 =	simm.s32 $0xD;
	s4 =	simm.s32 $0x90  }
0x92: {  	[smem:s4], [sflag:s24] =	dma.local [hbm:s2], $0x1  }
0x93: {  	_ =	swait.eq [sflag:s24], $0x1  }
0x94: {  	[sflag:s24] =	ssyncset.done $0x0;
	s25 =	sld [smem:$0x91]  }
0x95: {  	s3 =	simm.s32 $0x0;
	s2 =	sld [smem:$0x92];
	[sflag:s24] =	ssyncadd.s32 $0xFFFFFFFF  }
0x96: {  	[smem:$0xF] =	sst s3  }
0x97: {  	(tm) =	ssettm $0x1  }
0x98: {  	s5 =	sld [smem:$0x3FFB];
	_ =	sdelay $0x3  }
0x99: {  	_ =	strace s5  }
0x9a: {  	s5 =	sld [smem:$0x3FFC];
	_ =	sdelay $0x3  }
0x9b: {  	_ =	strace s5  }
0x9c: {  	s5 =	sld [smem:$0x3FFD];
	_ =	sdelay $0x3  }
0x9d: {  	_ =	strace s5  }
0x9e: {  	s26 =	simm.s32 $0x1B8B;
	_ =	strace $0x8FFFFFFF  }
0x9f: {  	_ =	swait.ge [sflag:s26], $0x1  }
0xa0: {  	s6 =	simm.s32 $0x1B8E;
	[sflag:s26] =	ssyncset.done $0x0  }
0xa1: {  	s29 =	simm.s32 $0xC;
	s28 =	sld [smem:$0x3FFE];
	[sflag:s26] =	ssyncadd.s32 $0xFFFFFFFF  }
0xa2: {  	s7 =	simm.s32 $0x10;
	s30 =	smul.u32 $0x2E2000, s0;
	[smem:$0x3FD2] =	sst s6  }
0xa3: {  	s8 =	simm.s32 $0xB;
	s31 =	smul.u32 $0xF6000, s0;
	_ =	strace $0x80000046  }
0xa4: {  	[smem:s7], [sflag:s29] =	dma.local [hbm:s25], $0x10  }
0xa5: {  	s9 =	simm.s32 $0x0;
	s5 =	smul.u32 $0x60, s0;
	_ =	swait.ge [sflag:s29], $0x10  }
0xa6: {  	s6 =	sadd.s32 s31, s2;
	s4 =	sadd.s32 s30, s28;
	[sflag:s29] =	ssyncset.done $0x0  }
0xa7: {  	s7 =	simm.s32 $0xA;
	s4 =	sadd.s32 $0x1600, s4;
	[sflag:s29] =	ssyncadd.s32 $0xFFFFFFF0  }
.LBB1_1:
0xa8: {  	p0 =	slt.u32 s9, $0x2  }
0xa9: {  	s10 =	simm.s32 @!p0 $0xB  }
0xaa: {  	_ =	swait.ge @!p0 [sflag:s10], $0x1EC00  }
0xab: {  	[sflag:s10] =	ssyncset.done @!p0 $0x0  }
0xac: {  	[sflag:s10] =	ssyncadd.s32 @!p0 $0xFFFE1400;
	_ =	sdelay $0x2  }
0xad: {  	_ =	swait.ge @!p0 [sflag:s10], $0x1EC00  }
0xae: {  	[sflag:s10] =	ssyncset.done @!p0 $0x0  }
0xaf: {  	[sflag:s10] =	ssyncadd.s32 @!p0 $0xFFFE1400;
	_ =	sdelay $0x2  }
0xb0: {  	_ =	swait.ge @!p0 [sflag:s10], $0x1EC00  }
0xb1: {  	s11 =	sand.u32 $0x1, s9;
	[sflag:s10] =	ssyncset.done @!p0 $0x0  }
0xb2: {  	p1 =	seq.s32 s11, $0x1;
	s11 =	simm.s32 $0x1EC00;
	[sflag:s10] =	ssyncadd.s32 @!p0 $0xFFFE1400  }
0xb3: {  	s11 =	simm.s32 @!p1 $0x0  }
0xb4: {  	[spmem:s11], [sflag:s7] =	dma.local [hbm:s6], $0x1EC00  }
0xb5: {  	_ =	swait.ge [sflag:s7], $0x1EC00  }
0xb6: {  	[sflag:s7] =	ssyncset.done $0x0  }
0xb7: {  	[sflag:s7] =	ssyncadd.s32 $0xFFFE1400  }
0xb8: {  	s14 =	sld [smem:$0x10];
	_ =	sdelay $0x3  }
0xb9: {  	s10 =	sadd.s32 s14, s5  }
0xba: {  	s10 =	smul.u32 $0x14800, s10;
	_ =	sdelay $0x1  }
0xbb: {  	s10 =	sshrl.u32 s10, $0x3  }
0xbc: {  	s15 =	sadd.s32 s2, s10;
	s10 =	sadd.s32 s3, s4  }
0xbd: {  	[hbm:s10], [sflag:s8] =	dma.local [hbm:s15], $0x2900  }
0xbe: {  	s11 =	sld [smem:$0x11];
	_ =	sdelay $0x3  }
0xbf: {  	s11 =	sadd.s32 s11, s5  }
0xc0: {  	s11 =	smul.u32 $0x14800, s11;
	_ =	sdelay $0x1  }
0xc1: {  	s11 =	sshrl.u32 s11, $0x3  }
0xc2: {  	s12 =	sadd.s32 $0x2900, s10;
	s11 =	sadd.s32 s2, s11  }
0xc3: {  	[hbm:s12], [sflag:s8] =	dma.local [hbm:s11], $0x2900  }
0xc4: {  	s11 =	sld [smem:$0x12];
	_ =	sdelay $0x3  }
0xc5: {  	s11 =	sadd.s32 s11, s5  }
0xc6: {  	s11 =	smul.u32 $0x14800, s11;
	_ =	sdelay $0x1  }
0xc7: {  	s11 =	sshrl.u32 s11, $0x3  }
0xc8: {  	s16 =	sadd.s32 $0x5200, s10;
	s11 =	sadd.s32 s2, s11  }
0xc9: {  	[hbm:s16], [sflag:s8] =	dma.local [hbm:s11], $0x2900  }
0xca: {  	s11 =	sld [smem:$0x13];
	_ =	sdelay $0x3  }
0xcb: {  	s11 =	sadd.s32 s11, s5  }
0xcc: {  	s11 =	smul.u32 $0x14800, s11;
	_ =	sdelay $0x1  }
0xcd: {  	s11 =	sshrl.u32 s11, $0x3  }
0xce: {  	s17 =	sadd.s32 $0x7B00, s10;
	s11 =	sadd.s32 s2, s11  }
0xcf: {  	[hbm:s17], [sflag:s8] =	dma.local [hbm:s11], $0x2900  }
0xd0: {  	s11 =	sld [smem:$0x14];
	_ =	sdelay $0x3  }
0xd1: {  	s11 =	sadd.s32 s11, s5  }
0xd2: {  	s11 =	smul.u32 $0x14800, s11;
	_ =	sdelay $0x1  }
0xd3: {  	s11 =	sshrl.u32 s11, $0x3  }
0xd4: {  	s18 =	sadd.s32 $0xA400, s10;
	s11 =	sadd.s32 s2, s11  }
0xd5: {  	[hbm:s18], [sflag:s8] =	dma.local [hbm:s11], $0x2900  }
0xd6: {  	s11 =	sld [smem:$0x15];
	_ =	sdelay $0x3  }
0xd7: {  	s11 =	sadd.s32 s11, s5  }
0xd8: {  	s11 =	smul.u32 $0x14800, s11;
	_ =	sdelay $0x1  }
0xd9: {  	s11 =	sshrl.u32 s11, $0x3  }
0xda: {  	s19 =	sadd.s32 $0xCD00, s10;
	s11 =	sadd.s32 s2, s11  }
0xdb: {  	[hbm:s19], [sflag:s8] =	dma.local [hbm:s11], $0x2900  }
0xdc: {  	s11 =	sld [smem:$0x16];
	_ =	sdelay $0x3  }
0xdd: {  	s11 =	sadd.s32 s11, s5  }
0xde: {  	s11 =	smul.u32 $0x14800, s11;
	_ =	sdelay $0x1  }
0xdf: {  	s11 =	sshrl.u32 s11, $0x3  }
0xe0: {  	s20 =	sadd.s32 $0xF600, s10;
	s11 =	sadd.s32 s2, s11  }
0xe1: {  	[hbm:s20], [sflag:s8] =	dma.local [hbm:s11], $0x2900  }
0xe2: {  	s11 =	sld [smem:$0x17];
	_ =	sdelay $0x3  }
0xe3: {  	s11 =	sadd.s32 s11, s5  }
0xe4: {  	s11 =	smul.u32 $0x14800, s11;
	_ =	sdelay $0x1  }
0xe5: {  	s11 =	sshrl.u32 s11, $0x3  }
0xe6: {  	s21 =	sadd.s32 $0x11F00, s10;
	s11 =	sadd.s32 s2, s11  }
0xe7: {  	[hbm:s21], [sflag:s8] =	dma.local [hbm:s11], $0x2900  }
0xe8: {  	s11 =	sld [smem:$0x18];
	_ =	sdelay $0x3  }
0xe9: {  	s11 =	sadd.s32 s11, s5  }
0xea: {  	s11 =	smul.u32 $0x14800, s11;
	_ =	sdelay $0x1  }
0xeb: {  	s11 =	sshrl.u32 s11, $0x3  }
0xec: {  	s22 =	sadd.s32 $0x14800, s10;
	s11 =	sadd.s32 s2, s11  }
0xed: {  	[hbm:s22], [sflag:s8] =	dma.local [hbm:s11], $0x2900  }
0xee: {  	s11 =	sld [smem:$0x19];
	_ =	sdelay $0x3  }
0xef: {  	s11 =	sadd.s32 s11, s5  }
0xf0: {  	s11 =	smul.u32 $0x14800, s11;
	_ =	sdelay $0x1  }
0xf1: {  	s11 =	sshrl.u32 s11, $0x3  }
0xf2: {  	s23 =	sadd.s32 $0x17100, s10;
	s11 =	sadd.s32 s2, s11  }
0xf3: {  	[hbm:s23], [sflag:s8] =	dma.local [hbm:s11], $0x2900  }
0xf4: {  	s11 =	sld [smem:$0x1A];
	_ =	sdelay $0x3  }
0xf5: {  	s11 =	sadd.s32 s11, s5  }
0xf6: {  	s11 =	smul.u32 $0x14800, s11;
	_ =	sdelay $0x1  }
0xf7: {  	s11 =	sshrl.u32 s11, $0x3  }
0xf8: {  	s24 =	sadd.s32 $0x19A00, s10;
	s11 =	sadd.s32 s2, s11  }
0xf9: {  	[hbm:s24], [sflag:s8] =	dma.local [hbm:s11], $0x2900  }
0xfa: {  	s11 =	sld [smem:$0x1B];
	_ =	sdelay $0x3  }
0xfb: {  	s11 =	sadd.s32 s11, s5  }
0xfc: {  	s11 =	smul.u32 $0x14800, s11;
	_ =	sdelay $0x1  }
0xfd: {  	s11 =	sshrl.u32 s11, $0x3  }
0xfe: {  	s25 =	sadd.s32 $0x1C300, s10;
	s11 =	sadd.s32 s2, s11  }
0xff: {  	[hbm:s25], [sflag:s8] =	dma.local [hbm:s11], $0x2900  }
0x100: {  	s11 =	sld [smem:$0x1C];
	_ =	sdelay $0x3  }
0x101: {  	s11 =	sadd.s32 s11, s5  }
0x102: {  	s11 =	smul.u32 $0x14800, s11;
	_ =	sdelay $0x1  }
0x103: {  	s11 =	sshrl.u32 s11, $0x3  }
0x104: {  	s26 =	sadd.s32 $0x1EC00, s10;
	s11 =	sadd.s32 s2, s11  }
0x105: {  	[hbm:s26], [sflag:s8] =	dma.local [hbm:s11], $0x2900  }
0x106: {  	s11 =	sld [smem:$0x1D];
	_ =	sdelay $0x3  }
0x107: {  	s11 =	sadd.s32 s11, s5  }
0x108: {  	s11 =	smul.u32 $0x14800, s11;
	_ =	sdelay $0x1  }
0x109: {  	s11 =	sshrl.u32 s11, $0x3  }
0x10a: {  	s28 =	sadd.s32 $0x21500, s10;
	s11 =	sadd.s32 s2, s11  }
0x10b: {  	[hbm:s28], [sflag:s8] =	dma.local [hbm:s11], $0x2900  }
0x10c: {  	s11 =	sld [smem:$0x1E];
	_ =	sdelay $0x3  }
0x10d: {  	s11 =	sadd.s32 s11, s5  }
0x10e: {  	s11 =	smul.u32 $0x14800, s11;
	_ =	sdelay $0x1  }
0x10f: {  	s11 =	sshrl.u32 s11, $0x3  }
0x110: {  	s29 =	sadd.s32 $0x23E00, s10;
	s11 =	sadd.s32 s2, s11  }
0x111: {  	[hbm:s29], [sflag:s8] =	dma.local [hbm:s11], $0x2900  }
0x112: {  	s11 =	sld [smem:$0x1F];
	_ =	sdelay $0x3  }
0x113: {  	s11 =	sadd.s32 s11, s5  }
0x114: {  	s11 =	smul.u32 $0x14800, s11;
	_ =	sdelay $0x1  }
0x115: {  	s11 =	sshrl.u32 s11, $0x3  }
0x116: {  	s30 =	sadd.s32 $0x26700, s10;
	s11 =	sadd.s32 s2, s11  }
0x117: {  	[hbm:s30], [sflag:s8] =	dma.local [hbm:s11], $0x2900  }
0x118: {  	s11 =	sld [smem:$0x20];
	_ =	sdelay $0x3  }
0x119: {  	s11 =	sadd.s32 s11, s5  }
0x11a: {  	s11 =	smul.u32 $0x14800, s11;
	_ =	sdelay $0x1  }
0x11b: {  	s11 =	sshrl.u32 s11, $0x3  }
0x11c: {  	s31 =	sadd.s32 $0x29000, s10;
	s11 =	sadd.s32 s2, s11  }
0x11d: {  	[hbm:s31], [sflag:s8] =	dma.local [hbm:s11], $0x2900  }
0x11e: {  	s11 =	sld [smem:$0x21];
	_ =	sdelay $0x3  }
0x11f: {  	s11 =	sadd.s32 s11, s5  }
0x120: {  	s11 =	smul.u32 $0x14800, s11;
	_ =	sdelay $0x1  }
0x121: {  	s11 =	sshrl.u32 s11, $0x3  }
0x122: {  	s13 =	sadd.s32 $0x2B900, s10;
	s11 =	sadd.s32 s2, s11  }
0x123: {  	[hbm:s13], [sflag:s8] =	dma.local [hbm:s11], $0x2900  }
0x124: {  	s11 =	sld [smem:$0x22];
	_ =	sdelay $0x3  }
0x125: {  	s11 =	sadd.s32 s11, s5  }
0x126: {  	s11 =	smul.u32 $0x14800, s11;
	_ =	sdelay $0x1  }
0x127: {  	s11 =	sshrl.u32 s11, $0x3  }
0x128: {  	s14 =	sadd.s32 $0x2E200, s10;
	s11 =	sadd.s32 s2, s11  }
0x129: {  	[hbm:s14], [sflag:s8] =	dma.local [hbm:s11], $0x2900  }
0x12a: {  	s11 =	sld [smem:$0x23];
	_ =	sdelay $0x3  }
0x12b: {  	s11 =	sadd.s32 s11, s5  }
0x12c: {  	s11 =	smul.u32 $0x14800, s11;
	_ =	sdelay $0x1  }
0x12d: {  	s11 =	sshrl.u32 s11, $0x3  }
0x12e: {  	s15 =	sadd.s32 $0x30B00, s10;
	s11 =	sadd.s32 s2, s11  }
0x12f: {  	[hbm:s15], [sflag:s8] =	dma.local [hbm:s11], $0x2900  }
0x130: {  	s11 =	sld [smem:$0x24];
	_ =	sdelay $0x3  }
0x131: {  	s11 =	sadd.s32 s11, s5  }
0x132: {  	s11 =	smul.u32 $0x14800, s11;
	_ =	sdelay $0x1  }
0x133: {  	s11 =	sshrl.u32 s11, $0x3  }
0x134: {  	s16 =	sadd.s32 $0x33400, s10;
	s11 =	sadd.s32 s2, s11  }
0x135: {  	[hbm:s16], [sflag:s8] =	dma.local [hbm:s11], $0x2900  }
0x136: {  	s11 =	sld [smem:$0x25];
	_ =	sdelay $0x3  }
0x137: {  	s11 =	sadd.s32 s11, s5  }
0x138: {  	s11 =	smul.u32 $0x14800, s11;
	_ =	sdelay $0x1  }
0x139: {  	s11 =	sshrl.u32 s11, $0x3  }
0x13a: {  	s17 =	sadd.s32 $0x35D00, s10;
	s11 =	sadd.s32 s2, s11  }
0x13b: {  	[hbm:s17], [sflag:s8] =	dma.local [hbm:s11], $0x2900  }
0x13c: {  	s11 =	sld [smem:$0x26];
	_ =	sdelay $0x3  }
0x13d: {  	s11 =	sadd.s32 s11, s5  }
0x13e: {  	s11 =	smul.u32 $0x14800, s11;
	_ =	sdelay $0x1  }
0x13f: {  	s11 =	sshrl.u32 s11, $0x3  }
0x140: {  	s18 =	sadd.s32 $0x38600, s10;
	s11 =	sadd.s32 s2, s11  }
0x141: {  	[hbm:s18], [sflag:s8] =	dma.local [hbm:s11], $0x2900  }
0x142: {  	s11 =	sld [smem:$0x27];
	_ =	sdelay $0x3  }
0x143: {  	s11 =	sadd.s32 s11, s5  }
0x144: {  	s11 =	smul.u32 $0x14800, s11;
	_ =	sdelay $0x1  }
0x145: {  	s11 =	sshrl.u32 s11, $0x3  }
0x146: {  	s19 =	sadd.s32 $0x3AF00, s10;
	s11 =	sadd.s32 s2, s11  }
0x147: {  	[hbm:s19], [sflag:s8] =	dma.local [hbm:s11], $0x2900  }
0x148: {  	s11 =	sld [smem:$0x28];
	_ =	sdelay $0x3  }
0x149: {  	s11 =	sadd.s32 s11, s5  }
0x14a: {  	s11 =	smul.u32 $0x14800, s11;
	_ =	sdelay $0x1  }
0x14b: {  	s11 =	sshrl.u32 s11, $0x3  }
0x14c: {  	s20 =	sadd.s32 $0x3D800, s10;
	s11 =	sadd.s32 s2, s11  }
0x14d: {  	[hbm:s20], [sflag:s8] =	dma.local [hbm:s11], $0x2900  }
0x14e: {  	s11 =	sld [smem:$0x29];
	_ =	sdelay $0x3  }
0x14f: {  	s11 =	sadd.s32 s11, s5  }
0x150: {  	s11 =	smul.u32 $0x14800, s11;
	_ =	sdelay $0x1  }
0x151: {  	s11 =	sshrl.u32 s11, $0x3  }
0x152: {  	s21 =	sadd.s32 $0x40100, s10;
	s11 =	sadd.s32 s2, s11  }
0x153: {  	[hbm:s21], [sflag:s8] =	dma.local [hbm:s11], $0x2900  }
0x154: {  	s11 =	sld [smem:$0x2A];
	_ =	sdelay $0x3  }
0x155: {  	s11 =	sadd.s32 s11, s5  }
0x156: {  	s11 =	smul.u32 $0x14800, s11;
	_ =	sdelay $0x1  }
0x157: {  	s11 =	sshrl.u32 s11, $0x3  }
0x158: {  	s22 =	sadd.s32 $0x42A00, s10;
	s11 =	sadd.s32 s2, s11  }
0x159: {  	[hbm:s22], [sflag:s8] =	dma.local [hbm:s11], $0x2900  }
0x15a: {  	s11 =	sld [smem:$0x2B];
	_ =	sdelay $0x3  }
0x15b: {  	s11 =	sadd.s32 s11, s5  }
0x15c: {  	s11 =	smul.u32 $0x14800, s11;
	_ =	sdelay $0x1  }
0x15d: {  	s11 =	sshrl.u32 s11, $0x3  }
0x15e: {  	s23 =	sadd.s32 $0x45300, s10;
	s11 =	sadd.s32 s2, s11  }
0x15f: {  	[hbm:s23], [sflag:s8] =	dma.local [hbm:s11], $0x2900  }
0x160: {  	s11 =	sld [smem:$0x2C];
	_ =	sdelay $0x3  }
0x161: {  	s11 =	sadd.s32 s11, s5  }
0x162: {  	s11 =	smul.u32 $0x14800, s11;
	_ =	sdelay $0x1  }
0x163: {  	s11 =	sshrl.u32 s11, $0x3  }
0x164: {  	s24 =	sadd.s32 $0x47C00, s10;
	s11 =	sadd.s32 s2, s11  }
0x165: {  	[hbm:s24], [sflag:s8] =	dma.local [hbm:s11], $0x2900  }
0x166: {  	s11 =	sld [smem:$0x2D];
	_ =	sdelay $0x3  }
0x167: {  	s11 =	sadd.s32 s11, s5  }
0x168: {  	s11 =	smul.u32 $0x14800, s11;
	_ =	sdelay $0x1  }
0x169: {  	s11 =	sshrl.u32 s11, $0x3  }
0x16a: {  	s25 =	sadd.s32 $0x4A500, s10;
	s11 =	sadd.s32 s2, s11  }
0x16b: {  	[hbm:s25], [sflag:s8] =	dma.local [hbm:s11], $0x2900  }
0x16c: {  	s11 =	sld [smem:$0x2E];
	_ =	sdelay $0x3  }
0x16d: {  	s11 =	sadd.s32 s11, s5  }
0x16e: {  	s11 =	smul.u32 $0x14800, s11;
	_ =	sdelay $0x1  }
0x16f: {  	s11 =	sshrl.u32 s11, $0x3  }
0x170: {  	s26 =	sadd.s32 $0x4CE00, s10;
	s11 =	sadd.s32 s2, s11  }
0x171: {  	[hbm:s26], [sflag:s8] =	dma.local [hbm:s11], $0x2900  }
0x172: {  	s11 =	sld [smem:$0x2F];
	_ =	sdelay $0x3  }
0x173: {  	s11 =	sadd.s32 s11, s5  }
0x174: {  	s11 =	smul.u32 $0x14800, s11;
	_ =	sdelay $0x1  }
0x175: {  	s11 =	sshrl.u32 s11, $0x3  }
0x176: {  	s28 =	sadd.s32 $0x4F700, s10;
	s11 =	sadd.s32 s2, s11  }
0x177: {  	[hbm:s28], [sflag:s8] =	dma.local [hbm:s11], $0x2900  }
0x178: {  	s11 =	sld [smem:$0x30];
	_ =	sdelay $0x3  }
0x179: {  	s11 =	sadd.s32 s11, s5  }
0x17a: {  	s11 =	smul.u32 $0x14800, s11;
	_ =	sdelay $0x1  }
0x17b: {  	s11 =	sshrl.u32 s11, $0x3  }
0x17c: {  	s29 =	sadd.s32 $0x52000, s10;
	s11 =	sadd.s32 s2, s11  }
0x17d: {  	[hbm:s29], [sflag:s8] =	dma.local [hbm:s11], $0x2900  }
0x17e: {  	s11 =	sld [smem:$0x31];
	_ =	sdelay $0x3  }
0x17f: {  	s11 =	sadd.s32 s11, s5  }
0x180: {  	s11 =	smul.u32 $0x14800, s11;
	_ =	sdelay $0x1  }
0x181: {  	s11 =	sshrl.u32 s11, $0x3  }
0x182: {  	s30 =	sadd.s32 $0x54900, s10;
	s11 =	sadd.s32 s2, s11  }
0x183: {  	[hbm:s30], [sflag:s8] =	dma.local [hbm:s11], $0x2900  }
0x184: {  	s11 =	sld [smem:$0x32];
	_ =	sdelay $0x3  }
0x185: {  	s11 =	sadd.s32 s11, s5  }
0x186: {  	s11 =	smul.u32 $0x14800, s11;
	_ =	sdelay $0x1  }
0x187: {  	s11 =	sshrl.u32 s11, $0x3  }
0x188: {  	s31 =	sadd.s32 $0x57200, s10;
	s11 =	sadd.s32 s2, s11  }
0x189: {  	[hbm:s31], [sflag:s8] =	dma.local [hbm:s11], $0x2900  }
0x18a: {  	s11 =	sld [smem:$0x33];
	_ =	sdelay $0x3  }
0x18b: {  	s3 =	sadd.s32 $0x5C400, s3;
	s11 =	sadd.s32 s11, s5  }
0x18c: {  	p0 =	sne.s32 s3, $0x2E2000;
	s11 =	smul.u32 $0x14800, s11  }
.Ltmp0:
0x18d: {  	_ = 	snop;
	(pc) =	sbr.rel @p0 .LBB1_1-.Ltmp0, $3  }
0x18e: {  	s9 =	sadd.s32 $0x1, s9;
	s6 =	sadd.s32 $0x1EC00, s6;
	s11 =	sshrl.u32 s11, $0x3  }
0x18f: {  	s10 =	sadd.s32 $0x59B00, s10;
	s5 =	sadd.s32 $0xC, s5;
	s11 =	sadd.s32 s2, s11  }
0x190: {  	[hbm:s10], [sflag:s8] =	dma.local [hbm:s11], $0x2900  }
0x191: {  	_ = 	snop  }
0x192: {  	s2 =	simm.s32 $0xB  }
0x193: {  	_ =	swait.ge [sflag:s2], $0x1EC00  }
0x194: {  	[sflag:s2] =	ssyncset.done $0x0  }
0x195: {  	[sflag:s2] =	ssyncadd.s32 $0xFFFE1400;
	_ =	sdelay $0x2  }
0x196: {  	_ =	swait.ge [sflag:s2], $0x1EC00  }
0x197: {  	[sflag:s2] =	ssyncset.done $0x0  }
0x198: {  	[sflag:s2] =	ssyncadd.s32 $0xFFFE1400;
	_ =	sdelay $0x2  }
0x199: {  	_ =	swait.ge [sflag:s2], $0x1EC00  }
0x19a: {  	[sflag:s2] =	ssyncset.done $0x0  }
0x19b: {  	[sflag:s2] =	ssyncadd.s32 $0xFFFE1400;
	_ =	sdelay $0x2  }
0x19c: {  	_ =	swait.ge [sflag:s2], $0x1EC00  }
0x19d: {  	[sflag:s2] =	ssyncset.done $0x0  }
0x19e: {  	[sflag:s2] =	ssyncadd.s32 $0xFFFE1400;
	_ =	sdelay $0x2  }
0x19f: {  	_ =	swait.ge [sflag:s2], $0x1EC00  }
0x1a0: {  	[sflag:s2] =	ssyncset.done $0x0  }
0x1a1: {  	[sflag:s2] =	ssyncadd.s32 $0xFFFE1400;
	_ =	sdelay $0x2  }
0x1a2: {  	_ =	swait.ge [sflag:s2], $0x1EC00  }
0x1a3: {  	[sflag:s2] =	ssyncset.done $0x0  }
0x1a4: {  	[sflag:s2] =	ssyncadd.s32 $0xFFFE1400  }
0x1a5: {  	_ =	strace $0x90000046  }
0x1a6: {  	_ =	sfence  }
0x1a7: {  	s29 =	sld [smem:$0x0];
	_ =	sdelay $0x2  }
0x1a8: {  	s3 =	sshll.u32 s1, $0xD;
	s30 =	sshrl.u32 s1, $0x2  }
0x1a9: {  	s31 =	sand.u32 $0x4000, s3;
	s1 =	sadd.s32 s30, s29  }
0x1aa: {  	s0 =	sor.u32 s31, s0;
	s1 =	sshll.u32 s1, $0x11  }
0x1ab: {  	s0 =	sor.u32 s1, s0  }
0x1ac: {  	s0 =	sadd.s32 $0x8F2B, s0;
	(pc) =	sbr.abs _section_cstart, $3  }
0x1ad: {  	[sflag:s0] =	ssyncadd.remote.s32 $0x1  }
0x1ae: {  	_ =	strace $0x9FFFFFFF  }
0x1af: {  	(tm) =	ssettm $0x7FFFFFFF  }

// kernel: sparse-core-data-format-call.cloned.1.call-start
scs
called_computation_lowered:
.L_overlay_start_0:
0x0: {  	s2 =	sld [smem:$0x3FD9]  }
0x1: {  	s3 =	sld [smem:$0x3FFE];
	_ =	sdelay $0x1  }
0x2: {  	s1 =	srdreg.scid  }
0x3: {  	s0 =	sand.u32 $0x1, s1  }
0x4: {  	s15 =	sshll.u32 s0, $0xA;
	s2 =	sadd.s32 s3, s2  }
0x5: {  	s2 =	sadd.s32 s2, s15  }
0x6: {  	[smem:$0x3FC3] =	sst s2  }
0x7: {  	_ = 	snop  }
0x8: {  	s2 =	sld [smem:$0x3FD0];
	_ =	sdelay $0x2  }
0x9: {  	s16 =	simm.s32 $0xA;
	s4 =	simm.s32 $0x10  }
0xa: {  	[smem:s4], [sflag:s16] =	dma.local [hbm:s2], $0x1  }
0xb: {  	_ =	swait.eq [sflag:s16], $0x1  }
0xc: {  	[sflag:s16] =	ssyncset.done $0x0  }
0xd: {  	[sflag:s16] =	ssyncadd.s32 $0xFFFFFFFF  }
0xe: {  	s17 =	sld [smem:$0x12];
	(tm) =	ssettm $0x1  }
0xf: {  	s18 =	sld [smem:$0x3FFB];
	_ =	sdelay $0x3  }
0x10: {  	_ =	strace s18  }
0x11: {  	s3 =	sld [smem:$0x3FFC];
	_ =	sdelay $0x3  }
0x12: {  	_ =	strace s3  }
0x13: {  	s3 =	sld [smem:$0x3FFD];
	_ =	sdelay $0x3  }
0x14: {  	_ =	strace s3  }
0x15: {  	_ =	strace $0x8FFFFFFF  }
0x16: {  	s19 =	sld [smem:$0x3FDB];
	_ =	sdelay $0x1  }
0x17: {  	s20 =	simm.s32 $_scs_section_size  }
0x18: {  	s5 =	simm.s32 $_size__tile_overlayer_lowered;
	s6 =	simm.s32 $_tile_overlayer_lowered  }
0x19: {  	s23 =	simm.s32 $0x1BFF;
	s22 =	sshll.u32 s6, $0x1;
	s3 =	sadd.s32 s20, s19  }
0x1a: {  	s7 =	simm.s32 $0x0;
	s21 =	sshll.u32 s5, $0x1;
	s5 =	sadd.s32 s22, s3  }
0x1b: {  	[timem:s7], [sflag:s23] =	dma.local [hbm:s5], s21  }
0x1c: {  	_ =	swait.ge [sflag:s23], s21  }
0x1d: {  	s4 =	ssub.s32 $0x0, s21;
	[sflag:s23] =	ssyncset.done $0x0  }
0x1e: {  	[sflag:s23] =	ssyncadd.s32 s4;
	_ =	sdelay $0x1  }
0x1f: {  	s24 =	simm.s32 $0x1B8B  }
0x20: {  	_ =	swait.ge [sflag:s24], $0x1  }
0x21: {  	[sflag:s24] =	ssyncset.done $0x0  }
0x22: {  	s26 =	simm.s32 $0x1B8E;
	s25 =	sld [smem:$0x3FFE];
	[sflag:s24] =	ssyncadd.s32 $0xFFFFFFFF  }
0x23: {  	s27 =	simm.s32 $execute0_lowered;
	[smem:$0x3FD2] =	sst s26  }
0x24: {  	s5 =	sshll.u32 s27, $0x1;
	_ =	strace $0x80000047;
	[dreg:$0x1] =	wrdreg $0xFFFFFFFF  }
0x25: {  	s28 =	simm.s32 $_size_execute0_lowered;
	s3 =	sadd.s32 s3, s5;
	[dreg:$0x0] =	wrdreg $0x0  }
0x26: {  	s5 =	sshll.u32 s28, $0x1;
	[dreg:$0x2] =	wrdreg s3  }
0x27: {  	[dreg:$0x3] =	wrdreg s5  }
0x28: {  	[dreg:$0x4] =	wrdreg $0xC0  }
0x29: {  	_ =	task [dreg:s7], $0x5FFFF  }
0x2a: {  	[dreg:$0x1] =	wrdreg $0xFFFFFFFF  }
0x2b: {  	[dreg:$0x0] =	wrdreg $0x60  }
0x2c: {  	[dreg:$0x2] =	wrdreg s25  }
0x2d: {  	[dreg:$0x3] =	wrdreg s17  }
0x2e: {  	[dreg:$0x4] =	wrdreg $0x9  }
0x2f: {  	_ =	task.clear_ibuf [dreg:s7], $0x5FFFF;
	_ =	strace $0x90000047  }
0x30: {  	s29 =	simm.s32 $0x9;
	_ =	strace $0x80000049  }
0x31: {  	_ =	swait.ge [sflag:s29], $0x1  }
0x32: {  	[sflag:s29] =	ssyncadd.s32 $0xFFFFFFFF  }
0x33: {  	_ =	strace $0x90000049  }
0x34: {  	_ =	sfence  }
0x35: {  	s30 =	sld [smem:$0x0];
	_ =	sdelay $0x2  }
0x36: {  	s31 =	sshll.u32 s1, $0xD;
	s1 =	sshrl.u32 s1, $0x2  }
0x37: {  	s3 =	sand.u32 $0x4000, s31;
	s1 =	sadd.s32 s1, s30  }
0x38: {  	s0 =	sor.u32 s3, s0;
	s1 =	sshll.u32 s1, $0x11  }
0x39: {  	s0 =	sor.u32 s1, s0  }
0x3a: {  	s0 =	sadd.s32 $0x8F2B, s0  }
0x3b: {  	[sflag:s0] =	ssyncadd.remote.s32 $0x1  }
0x3c: {  	_ =	sfence.sel $0xFFFF  }
0x3d: {  	[dreg:$0x0] =	wrdreg $0xFFFFFFFF;
	(pc) =	sbr.abs _section_cstart, $3  }
0x3e: {  	[dreg:$0x1] =	wrdreg $0xFFFFFFFF  }
0x3f: {  	_ =	task.clear_ibuf [dreg:s7], $0x2FFFF;
	_ =	strace $0x9FFFFFFF  }
0x40: {  	(tm) =	ssettm $0x7FFFFFFF  }
0x41: {  	_ =	shalt  }
tec
execute0_lowered:
.L_overlay_start_1:
0x0: {  	(tag) =	ssettag $0x1  }
0x1: {  	s0 =	rddreg [dreg:$0x0]  }
0x2: {  	_ =	strace $0x80000048;
	s1 =	srdreg.scid;
	s29 =	simm.s32 $0x1  }
0x3: {  	s30 =	simm.s32 $0x2;
	s7 =	stileid.u32;
	s20 =	simm.s32 $0x0  }
0x4: {  	s21 =	simm.s32 $0x0;
	s22 =	simm.s32 $0x0;
	s23 =	simm.s32 $0x0  }
0x5: {  	s24 =	simm.s32 $0x0;
	s10 =	simm.s32 $0x0;
	s11 =	simm.s32 $0x0  }
0x6: {  	s13 =	simm.s32 $0x0;
	s14 =	simm.s32 $0x0;
	s16 =	simm.s32 $0x0  }
.Ltmp0:
0x7: {  	s15 =	simm.s32 $0x0;
	s17 =	simm.s32 $0x0;
	(pc) =	sbr.rel .LBB1_1-.Ltmp0, $4  }
0x8: {  	s18 =	simm.s32 $0x0;
	s0 =	sadd.s32 $0x1600, s0;
	s28 =	sshll.u32 s1, $0x7  }
0x9: {  	s19 =	stileid.u32;
	[dreg:$0x3] =	wrdreg s0;
	s9 =	sand.u32 $0x80, s28  }
0xa: {  	[sflag:s29] =	ssyncpa.u1 $0x0;
	s31 =	sshll.u32 s9, $0x3;
	[dreg:$0x4] =	wrdreg s9  }
0xb: {  	s12 =	simm.s32 $0x0;
	[sflag:s30] =	ssyncpa.u1 $0x0;
	[dreg:$0x5] =	wrdreg s31  }
.LBB1_15:
0xc: {  	s10 =	rddreg [dreg:$0x6]  }
0xd: {  	s5 =	rddreg [dreg:$0xb]  }
0xe: {  	s6 =	rddreg [dreg:$0xc]  }
0xf: {  	s1 =	sshll.u32 s11, $0x3;
	s14 =	sand.u32 $0x7F, s11;
	s13 =	rddreg [dreg:$0x7]  }
0x10: {  	s0 =	sshrl.u32 s10, $0x3;
	p0 =	sgt.s32 s10, $0x18;
	s3 =	smov.u32 s10  }
0x11: {  	s7 =	rddreg [dreg:$0x1];
	s0 =	smul.u32 $0xC00, s0;
	s3 =	simm.s32 @!p0 $0x18  }
0x12: {  	s1 =	sand.u32 $0xFFFFFC00, s1;
	s27 =	smul.u32 $0x1C80, s13;
	s3 =	ssub.s32 $0x98, s3  }
0x13: {  	s29 =	rddreg [dreg:$0xd];
	s0 =	sadd.s32 s1, s0;
	s3 =	smul.u32 s3, s6  }
0x14: {  	p0 =	sgt.s32 s11, $0x100;
	s2 =	smulhi.u32 $0xAAAAAAAB, s0;
	s0 =	sor.u32 s14, s0  }
0x15: {  	s1 =	smov.u32 s11;
	s14 =	rddreg [dreg:$0x8];
	s4 =	smulhi.u32 $0xAAAAAAAB, s0  }
0x16: {  	s1 =	simm.s32 @!p0 $0x100;
	s26 =	smul.u32 $0x5580, s14;
	s2 =	sshrl.u32 s2, $0x8  }
0x17: {  	s1 =	sadd.s32 s5, s1;
	s16 =	smulhi.u32 $0x1AF286C, s2;
	s4 =	sshrl.u32 s4, $0x8  }
0x18: {  	s21 =	sadd.s32 $0xFFFFFF00, s1;
	s1 =	ssub.s32 $0x180, s1;
	s4 =	smul.u32 $0x180, s4  }
0x19: {  	p0 =	sgt.s32 s21, $0x7F;
	s5 =	smul.u32 $0x98, s16;
	s16 =	rddreg [dreg:$0x9]  }
0x1a: {  	s9 =	rddreg [dreg:$0x4];
	s1 =	simm.s32 @p0 $0x0;
	s25 =	smul.u32 $0x40200, s16  }
0x1b: {  	s31 =	simm.s32 $0xC00;
	s21 =	rddreg [dreg:$0xa];
	s1 =	smul.u32 s1, s3  }
0x1c: {  	s0 =	ssub.s32 s0, s4;
	s2 =	ssub.s32 s2, s5;
	s3 =	sadd.s32 s7, s25  }
0x1d: {  	s1 =	sand.u32 $0x3FFFFFFF, s1;
	s2 =	smul.u32 $0x30, s2;
	s3 =	sadd.s32 s26, s3  }
0x1e: {  	s4 =	sand.u32 $0x7, s0;
	s0 =	sshrl.u32 s0, $0x3;
	s3 =	sadd.s32 s27, s3  }
0x1f: {  	s28 =	sshll.u32 s4, $0x12;
	s4 =	sor.u32 $0x8000, s29;
	s2 =	sadd.s32 s2, s3  }
0x20: {  	s7 =	stileid.u32;
	s30 =	sor.u32 $0x400, s28;
	s0 =	sadd.s32 s0, s2  }
0x21: {  	[hbm4b:s0+s30] =	stream.strided.scatter [tilespmem:s4], [sflag:$0x2], s1, s31, s30, $0x20;
	[tilespmem:$0x10100] =	vst v63  }
.LBB1_16:
0x22: {  	p0 =	slt.u32 s12, $0x2  }
0x23: {  	s0 =	smov.u32 s24;
	p1 =	sgt.s32 @!p0 s24, $0xF  }
0x24: {  	s1 =	sshra.s32 @!p0 s24, $0x1F;
	s2 =	sshra.s32 @!p0 s23, $0x1F;
	p2 =	sgt.s32 @!p0 s22, $0x2  }
0x25: {  	p1 =	por !p1, p0;
	s1 =	sand.u32 @!p0 s1, s24;
	s2 =	sand.u32 @!p0 s2, s23  }
0x26: {  	p2 =	por !p2, p0;
	s0 =	simm.s32 @p1 $0xF;
	p1 =	sgt.s32 @!p0 s23, $0xB  }
0x27: {  	s0 =	ssub.s32 @!p0 s0, s1;
	p1 =	por !p1, p0;
	s1 =	smov.u32 s23  }
0x28: {  	s3 =	sadd.s32 @!p0 $0xFFFFFFF1, s0;
	s1 =	simm.s32 @p1 $0xB;
	s0 =	ssub.s32 @!p0 $0x10, s0  }
0x29: {  	p1 =	sgt.s32 @!p0 s3, $0x0;
	s1 =	ssub.s32 @!p0 s1, s2;
	s3 =	sshra.s32 @!p0 s22, $0x1F  }
0x2a: {  	p1 =	por !p1, p0;
	s2 =	sadd.s32 @!p0 $0xFFFFFFF5, s1;
	s3 =	sand.u32 @!p0 s3, s22  }
0x2b: {  	s1 =	ssub.s32 @!p0 $0xC, s1;
	p3 =	sgt.s32 @!p0 s2, $0x0;
	s2 =	smov.u32 s22  }
0x2c: {  	s0 =	simm.s32 @!p1 $0x0;
	s2 =	simm.s32 @p2 $0x2;
	p1 =	por !p3, p0  }
0x2d: {  	s2 =	ssub.s32 @!p0 s2, s3;
	s1 =	simm.s32 @!p1 $0x0  }
0x2e: {  	p1 =	sgt.s32 @!p0 s21, $0x100;
	s3 =	sadd.s32 @!p0 $0xFFFFFFFE, s2;
	s0 =	smul.u32 @!p0 s0, s1  }
0x2f: {  	p1 =	por !p1, p0;
	s1 =	smov.u32 s21;
	p2 =	sgt.s32 @!p0 s3, $0x0  }
0x30: {  	s1 =	simm.s32 @p1 $0x100;
	p1 =	sgt.s32 @!p0 s20, $0x18;
	s3 =	sshra.s32 @!p0 s21, $0x1F  }
0x31: {  	s2 =	ssub.s32 @!p0 $0x3, s2;
	p1 =	por !p1, p0;
	s3 =	sand.u32 @!p0 s3, s21  }
0x32: {  	p2 =	por !p2, p0;
	s20 =	simm.s32 @p1 $0x18;
	s1 =	ssub.s32 @!p0 s1, s3  }
0x33: {  	s2 =	simm.s32 @!p2 $0x0;
	s3 =	ssub.s32 @!p0 $0x98, s20;
	s4 =	sadd.s32 @!p0 $0xFFFFFF00, s1  }
0x34: {  	s1 =	ssub.s32 @!p0 $0x180, s1;
	s0 =	smul.u32 @!p0 s3, s0;
	s3 =	sadd.s32 $0x80, s15  }
0x35: {  	p1 =	sgt.s32 @!p0 s4, $0x7F;
	s4 =	simm.s32 $0x1;
	p2 =	sgt.s32 s3, $0x144  }
0x36: {  	p1 =	por !p1, p0;
	s0 =	smul.u32 @!p0 s2, s0;
	s4 =	simm.s32 @!p2 $0x0  }
0x37: {  	s5 =	sadd.s32 $0x10, s19;
	s1 =	simm.s32 @!p1 $0x0;
	s2 =	sadd.s32 s4, s17  }
0x38: {  	s0 =	smul.u32 @!p0 s1, s0;
	p1 =	sgt.s32 s2, $0x2;
	s1 =	simm.s32 $0x1  }
0x39: {  	s6 =	smov.u32 s19;
	s12 =	sadd.s32 $0x1, s12;
	s1 =	simm.s32 @!p1 $0x0  }
0x3a: {  	s24 =	smov.u32 s16;
	s16 =	smov.u32 s19;
	s1 =	sadd.s32 s1, s18  }
0x3b: {  	s23 =	smov.u32 s14;
	s2 =	simm.s32 @p1 $0x0;
	p1 =	sgt.s32 s1, $0xB  }
0x3c: {  	s14 =	smov.u32 s18;
	s22 =	smov.u32 s13;
	s6 =	smov.u32 @p1 s5  }
0x3d: {  	s13 =	smov.u32 s17;
	s1 =	simm.s32 @p1 $0x0;
	p1 =	sgt.s32 s6, $0xF  }
0x3e: {  	s21 =	smov.u32 s11;
	s6 =	smov.u32 @p1 s7;
	p1 =	sne.s32 s12, $0x6E  }
.Ltmp1:
0x3f: {  	s11 =	smov.u32 s15;
	s20 =	smov.u32 s10;
	(pc) =	sbr.rel @!p1 .LBB1_17-.Ltmp1, $4  }
0x40: {  	s3 =	simm.s32 @p2 $0x0;
	s4 =	simm.s32 @!p0 $0x2;
	s0 =	sand.u32 @!p0 $0x3FFFFFFF, s0  }
0x41: {  	s10 =	smov.u32 s9;
	s15 =	smov.u32 s3;
	_ =	swait.ge @!p0 [sflag:s4], s0  }
0x42: {  	s17 =	smov.u32 s2;
	s0 =	ssub.s32 @!p0 $0x0, s0;
	[sflag:s4] =	ssyncset.done @!p0 $0x0  }
0x43: {  	[sflag:s4] =	ssyncadd.s32 @!p0 s0;
	s18 =	smov.u32 s1;
	s19 =	smov.u32 s6  }
.LBB1_1:
0x44: {  	p0 =	sgt.u32 s12, $0x6B  }
.Ltmp2:
0x45: {  	_ = 	snop;
	(pc) =	sbr.rel @p0 .LBB1_3-.Ltmp2, $1  }
0x46: {  	_ =	sdelay $0x3  }
0x47: {  	s0 =	sshll.u32 s15, $0x8  }
0x48: {  	s1 =	sshll.u32 s15, $0x7;
	s2 =	rddreg [dreg:$0x5];
	p0 =	sgt.s32 s19, $0xF  }
0x49: {  	s26 =	sshra.s32 s19, $0x1F;
	s4 =	sshra.s32 s18, $0x1F;
	p1 =	sgt.s32 s17, $0x2  }
0x4a: {  	s5 =	smov.u32 s17;
	s6 =	sshra.s32 s17, $0x1F;
	s31 =	smul.u32 $0x5C400, s19  }
0x4b: {  	s28 =	sshra.s32 s15, $0x1F;
	s30 =	sxor.u32 $0xFFFFFFFF, s12;
	s25 =	smul.u32 $0x7B00, s18  }
0x4c: {  	s8 =	rddreg [dreg:$0x3];
	s0 =	sand.u32 $0xFFFFF800, s0;
	s1 =	sand.u32 $0x300, s1  }
0x4d: {  	s4 =	sand.u32 s4, s18;
	s5 =	simm.s32 @!p1 $0x2;
	s27 =	sand.u32 s6, s17  }
0x4e: {  	s29 =	sand.u32 s28, s15;
	s0 =	sor.u32 s2, s0;
	s2 =	sand.u32 s26, s19  }
0x4f: {  	s26 =	smul.u32 $0x2900, s17;
	s0 =	sor.u32 s1, s0;
	s1 =	smov.u32 s19  }
0x50: {  	s0 =	sshrl.u32 s0, $0x8;
	s1 =	simm.s32 @!p0 $0xF;
	p0 =	sgt.s32 s18, $0xB  }
0x51: {  	s3 =	smulhi.u32 $0xC7CE0D, s0;
	s1 =	ssub.s32 s1, s2;
	s2 =	smov.u32 s18  }
0x52: {  	s6 =	sadd.s32 s8, s31;
	s1 =	sadd.s32 $0xFFFFFFF1, s1;
	s2 =	simm.s32 @!p0 $0xB  }
0x53: {  	s3 =	smul.u32 $0x148, s3;
	p0 =	sgt.s32 s1, $0x0;
	s2 =	ssub.s32 s2, s4  }
0x54: {  	s1 =	sshll.u32 s1, $0x7;
	s4 =	sadd.s32 $0xFFFFFFF5, s2;
	s2 =	ssub.s32 $0xC, s2  }
0x55: {  	s1 =	ssub.s32 $0x80, s1;
	p1 =	sgt.s32 s4, $0x0;
	s4 =	ssub.s32 s5, s27  }
0x56: {  	s1 =	simm.s32 @p0 $0x0;
	p0 =	sgt.s32 s15, $0xC8;
	s5 =	sadd.s32 $0xFFFFFFFE, s4  }
0x57: {  	s2 =	simm.s32 @p1 $0x0;
	p1 =	sgt.s32 s5, $0x0;
	s5 =	smov.u32 s15  }
0x58: {  	s31 =	simm.s32 $0x800;
	s0 =	ssub.s32 s0, s3;
	s5 =	simm.s32 @!p0 $0xC8  }
0x59: {  	s4 =	ssub.s32 $0x3, s4;
	s1 =	smul.u32 s2, s1;
	s2 =	ssub.s32 s5, s29  }
0x5a: {  	s27 =	sshll.u32 s15, $0x4;
	s4 =	simm.s32 @p1 $0x0;
	s5 =	sadd.s32 $0xFFFFFF38, s2  }
0x5b: {  	s1 =	smul.u32 s4, s1;
	s2 =	ssub.s32 $0x148, s2;
	p0 =	sgt.s32 s5, $0x7F  }
0x5c: {  	s3 =	sadd.s32 s25, s6;
	s28 =	sand.u32 $0x10, s27;
	s2 =	simm.s32 @p0 $0x0  }
0x5d: {  	s3 =	sadd.s32 s26, s3;
	s0 =	sshll.u32 s0, $0x5;
	s1 =	smul.u32 s2, s1  }
0x5e: {  	s4 =	sshll.u32 s30, $0xE;
	s30 =	simm.s32 $0x400;
	s2 =	sadd.s32 s28, s3  }
0x5f: {  	s29 =	sand.u32 $0x4000, s4;
	s0 =	sadd.s32 s0, s2;
	s1 =	sand.u32 $0x3FFFFF80, s1  }
0x60: {  	[tilespmem:s29], [sflag:$0x1] =	stream.strided.gather [hbm4b:s0+s30], s1, s31, s30, $0x38;
	[tilespmem:$0x10100] =	vst v63  }
.LBB1_3:
0x61: {  	p0 =	seq.s32 s12, $0x0  }
0x62: {  	p1 =	seq.s32 @!p0 s12, $0x6D  }
0x63: {  	p0 =	por p0, p1  }
.Ltmp3:
0x64: {  	_ = 	snop;
	(pc) =	sbr.rel @p0 .LBB1_16-.Ltmp3, $1  }
0x65: {  	_ =	sdelay $0x3  }
0x66: {  	[dreg:$0xa] =	wrdreg s21  }
0x67: {  	p0 =	sgt.s32 s16, $0xF;
	s0 =	smov.u32 s16;
	s1 =	sshra.s32 s16, $0x1F  }
0x68: {  	s2 =	smov.u32 s14;
	s3 =	sshra.s32 s14, $0x1F;
	p1 =	sgt.s32 s13, $0x2  }
0x69: {  	s26 =	sshra.s32 s13, $0x1F;
	s6 =	ssub.s32 $0x0, s11;
	s7 =	sshra.s32 s11, $0x1F  }
0x6a: {  	s0 =	simm.s32 @!p0 $0xF;
	s1 =	sand.u32 s1, s16;
	p0 =	sgt.s32 s14, $0xB  }
0x6b: {  	s21 =	sand.u32 s3, s14;
	s0 =	ssub.s32 s0, s1;
	s2 =	simm.s32 @!p0 $0xB  }
0x6c: {  	s4 =	smov.u32 s11;
	s25 =	sadd.s32 $0xFFFFFFF1, s0;
	s1 =	ssub.s32 s2, s21  }
0x6d: {  	s0 =	ssub.s32 $0x10, s0;
	p0 =	sgt.s32 s25, $0x0;
	s2 =	sadd.s32 $0xFFFFFFF5, s1  }
0x6e: {  	s1 =	ssub.s32 $0xC, s1;
	s0 =	simm.s32 @p0 $0x0;
	p0 =	sgt.s32 s2, $0x0  }
0x6f: {  	s3 =	sand.u32 s26, s13;
	s2 =	smov.u32 s13;
	s1 =	simm.s32 @p0 $0x0  }
0x70: {  	s2 =	simm.s32 @!p1 $0x2;
	p0 =	sgt.s32 s11, $0xC8;
	s0 =	smul.u32 s0, s1  }
0x71: {  	s27 =	ssub.s32 s2, s3;
	s2 =	sand.u32 s6, s7;
	s4 =	simm.s32 @!p0 $0xC8  }
0x72: {  	s5 =	sadd.s32 $0xFFFFFFFE, s27;
	[dreg:$0xb] =	wrdreg s2;
	s2 =	sadd.s32 s2, s4  }
0x73: {  	s1 =	ssub.s32 $0x3, s27;
	p0 =	sgt.s32 s5, $0x0;
	s2 =	sadd.s32 $0xFFFFFF38, s2  }
0x74: {  	s1 =	simm.s32 @p0 $0x0;
	p0 =	sgt.s32 s2, $0x7F  }
0x75: {  	s9 =	sshll.u32 s2, $0x7;
	s2 =	sadd.s32 $0x1, s14;
	s8 =	smul.u32 s1, s0  }
0x76: {  	s0 =	ssub.s32 $0x4000, s9;
	s1 =	sadd.s32 $0x1, s16;
	p1 =	slt.s32 s2, $0xC  }
0x77: {  	s0 =	simm.s32 @p0 $0x0;
	p0 =	slt.s32 s1, $0x10;
	s2 =	simm.s32 @!p1 $0xC  }
0x78: {  	s3 =	sadd.s32 $0x1, s13;
	s1 =	simm.s32 @!p0 $0x10;
	s29 =	ssub.s32 s2, s14  }
0x79: {  	p0 =	slt.s32 s3, $0x3;
	s2 =	smov.u32 s10;
	s28 =	ssub.s32 s1, s16  }
0x7a: {  	s3 =	simm.s32 @!p0 $0x3;
	s1 =	sadd.s32 $0x80, s11;
	p0 =	slt.s32 s28, $0x1  }
0x7b: {  	s30 =	ssub.s32 s3, s13;
	p1 =	slt.s32 s1, $0x145;
	p2 =	slt.s32 @!p0 s29, $0x1  }
0x7c: {  	s1 =	simm.s32 @!p1 $0x145;
	p1 =	slt.s32 s10, $0x18;
	p2 =	por p0, p2  }
0x7d: {  	s0 =	smul.u32 s8, s0;
	s2 =	simm.s32 @!p1 $0x18;
	p1 =	slt.s32 @!p2 s30, $0x1  }
0x7e: {  	s31 =	ssub.s32 s1, s11;
	s21 =	ssub.s32 s2, s10;
	p1 =	por p2, p1  }
0x7f: {  	[dreg:$0x9] =	wrdreg s16;
	s1 =	sadd.s32 $0x88, s21;
	p2 =	slt.s32 @!p1 s31, $0x1  }
0x80: {  	s25 =	sand.u32 $0x3FFFFF80, s0;
	s0 =	sand.u32 $0xFFFFFFB0, s1;
	p1 =	por p1, p2  }
0x81: {  	[dreg:$0x8] =	wrdreg s14;
	p2 =	slt.s32 @!p1 s0, $0x1  }
0x82: {  	[dreg:$0x7] =	wrdreg s13;
	p1 =	por p1, p2  }
.Ltmp4:
0x83: {  	[dreg:$0x6] =	wrdreg s10;
	(pc) =	sbr.rel @p1 .LBB1_15-.Ltmp4, $4  }
0x84: {  	s26 =	simm.s32 $0x1;
	[dreg:$0xc] =	wrdreg s8;
	s1 =	sand.u32 $0x1, s12  }
0x85: {  	_ =	swait.ge [sflag:s26], s25;
	s27 =	smul.u32 $0x4080, s1  }
0x86: {  	[sflag:s26] =	ssyncset.done $0x0;
	s2 =	ssub.s32 $0x0, s25  }
0x87: {  	[sflag:s26] =	ssyncadd.s32 s2;
	[dreg:$0xd] =	wrdreg s27  }
0x88: {  	s2 =	rddreg [dreg:$0xd]  }
0x89: {  	s1 =	sshll.u32 @!p0 s1, $0xE;
	s8 =	simm.s32 $0x0;
	s7 =	sor.u32 @!p0 $0x8000, s2  }
.LBB1_6:
0x8a: {  	s9 =	simm.s32 $0x0  }
.LBB1_7:
0x8b: {  	s2 =	sadd.s32 s8, s9;
	s3 =	simm.s32 $0x0  }
.LBB1_8:
0x8c: {  	s4 =	sadd.s32 s3, s2  }
0x8d: {  	s5 =	smul.u32 $0x10200, s4  }
0x8e: {  	s4 =	sshll.u32 s4, $0x10  }
0x8f: {  	s4 =	sshra.s32 s4, $0x2;
	s5 =	sshra.s32 s5, $0x2  }
0x90: {  	s6 =	sadd.s32 s4, s1;
	s4 =	sadd.s32 s5, s7;
	s5 =	simm.s32 $0x0  }
.LBB1_9:
0x91: {  	s25 =	sshll.u32 s5, $0x7;
	s26 =	sshrl.u32 s5, $0x4  }
0x92: {  	s21 =	sand.u32 $0x7F, s5;
	s13 =	simm.s32 $0x0;
	s10 =	sand.u32 $0x380, s25  }
0x93: {  	s27 =	sadd.s32 s10, s6;
	s10 =	sadd.s32 s21, s4;
	s21 =	simm.s32 $0x0  }
.LBB1_10:
0x94: {  	s14 =	sand.u32 $0x3C00, s21  }
0x95: {  	s14 =	sadd.s32 s25, s14  }
0x96: {  	s14 =	sand.u32 $0x3C00, s14  }
0x97: {  	s16 =	sand.u32 $0x70, s13;
	s14 =	sadd.s32 s14, s27  }
0x98: {  	s14 =	sadd.s32 s16, s14;
	s16 =	sadd.s32 s13, s26  }
0x99: {  	s13 =	sadd.s32 $0x10, s13;
	s16 =	sand.u32 $0x78, s16  }
0x9a: {  	v0 =	vld [tilespmem:s14+$0x0];
	p0 =	slt.u32 s13, s0;
	s14 =	smul.u32 $0x204, s16  }
.Ltmp5:
0x9b: {  	_ = 	snop;
	(pc) =	sbr.rel @p0 .LBB1_10-.Ltmp5, $4  }
0x9c: {  	_ = 	snop  }
0x9d: {  	s14 =	sshrl.u32 s14, $0x2  }
0x9e: {  	s14 =	sadd.s32 s14, s10  }
0x9f: {  	s21 =	sadd.s32 $0x80, s21;
	[tilespmem:s14+$0x0 ss:$0x81] =	vst.msk $0xffff, v0  }
0xa0: {  	s5 =	sadd.s32 $0x1, s5  }
0xa1: {  	p0 =	sne.s32 s5, s31  }
.Ltmp6:
0xa2: {  	_ = 	snop;
	(pc) =	sbr.rel @p0 .LBB1_9-.Ltmp6, $1  }
0xa3: {  	_ =	sdelay $0x3  }
0xa4: {  	s3 =	sadd.s32 $0x1, s3  }
0xa5: {  	p0 =	sne.s32 s3, s30  }
.Ltmp7:
0xa6: {  	_ = 	snop;
	(pc) =	sbr.rel @p0 .LBB1_8-.Ltmp7, $1  }
0xa7: {  	_ =	sdelay $0x3  }
0xa8: {  	s9 =	sadd.s32 $0x1, s9  }
0xa9: {  	p0 =	sne.s32 s9, s29  }
.Ltmp8:
0xaa: {  	_ = 	snop;
	(pc) =	sbr.rel @p0 .LBB1_7-.Ltmp8, $1  }
0xab: {  	_ =	sdelay $0x3  }
0xac: {  	s8 =	sadd.s32 $0x1, s8  }
0xad: {  	p0 =	sne.s32 s8, s28  }
.Ltmp9:
0xae: {  	_ = 	snop;
	(pc) =	sbr.rel @p0 .LBB1_6-.Ltmp9, $4  }
.Ltmp10:
0xaf: {  	_ = 	snop;
	(pc) =	sbr.rel @!p0 .LBB1_15-.Ltmp10, $4  }
0xb0: {  	_ = 	snop  }
0xb1: {  	_ = 	snop  }
0xb2: {  	_ = 	snop  }
0xb3: {  	_ = 	snop  }
.LBB1_17:
0xb4: {  	_ =	sfence.sel $0x180000  }
0xb5: {  	s0 =	simm.s32 $0x1;
	[bflag:$0x0] =	sbarrier.arrive $0xFFFF  }
0xb6: {  	s31 =	simm.s32 $0x2;
	[sflag:s0] =	ssyncpa.u1 $0x1  }
0xb7: {  	[sflag:s31] =	ssyncpa.u1 $0x1  }
0xb8: {  	_ =	strace $0x90000048  }
0xb9: {  	[bflag:$0x2] =	sbarrier.arrive $0xFFFF  }
0xba: {  	p0 =	sne.s32 s7, $0x0;
	s0 =	rddreg [dreg:$0x2]  }
0xbb: {  	s0 =	sadd.s32 @!p0 $0x100000, s0  }
0xbc: {  	[sflag:s0] =	ssyncadd.tile.s32 @!p0 $0x1;
	_ =	shalt  }
.Lfunc_end1:
_tile_overlayer_lowered:
.L_overlay_start_2:
0xbd: {  	(tag) =	ssettag $0x2  }
0xbe: {  	s0 =	rddreg [dreg:$0x0];
	s2 =	stileid.u32  }
0xbf: {  	s1 =	rddreg [dreg:$0x1];
	p0 =	sne.s32 s2, $0x0  }
0xc0: {  	s3 =	rddreg [dreg:$0x2];
	[bflag:$0x3] =	sbarrier.arrive $0xFFFF;
	s2 =	simm.s32 @!p0 $0x1C01  }
0xc1: {  	[timem:s3], [sflag:s2] =	dma.local @!p0 [hbm:s0], s1  }
0xc2: {  	s0 =	simm.s32 @!p0 $0x1  }
0xc3: {  	_ =	swait.ge @!p0 [sflag:s0], s1  }
0xc4: {  	s1 =	ssub.s32 @!p0 $0x0, s1;
	[sflag:s0] =	ssyncset.done @!p0 $0x0  }
0xc5: {  	[sflag:s0] =	ssyncadd.s32 @!p0 s1  }
0xc6: {  	[bflag:$0x3] =	sbarrier.arrive $0xFFFF  }
0xc7: {  	_ =	shalt  }

</sc_bundles>
